<compile_context>
chip_gen: v7x
topology: tpu7x:2x2x1
jax: 0.10.2.dev20260603
libtpu: 0.0.44.dev20260713+nightly
codegen_flags: <defaults>
</compile_context>

<pallas_src>
import functools

import jax
import jax.numpy as jnp
from jax import lax
from jax.experimental import pallas as pl
from jax.experimental.pallas import tpu as pltpu
from jax.experimental.pallas import tpu_sc as plsc

N = 10000
D = 128
E = 320000
CNTW = 16
N_CNT = 10048
NC, NS = 2, 16
NW = NC * NS
CH = 40
NCH = 250
ROWS_PER_TILE = N // NS
CNT_ROWS_PER_TILE = N_CNT // NS


def _sc_gather_scatter(x, e_r):
    mesh = plsc.VectorSubcoreMesh(core_axis_name="c", subcore_axis_name="s")

    @functools.partial(
        pl.kernel,
        out_type=(jax.ShapeDtypeStruct((NC, N, D), jnp.float32),
                  jax.ShapeDtypeStruct((NC, N_CNT, CNTW), jnp.float32)),
        mesh=mesh,
        scratch_types=[
            pltpu.VMEM((NCH, 1, CH), jnp.int32),
            pltpu.VMEM((NCH, 1, CH), jnp.int32),
            pltpu.VMEM((CH, D), jnp.float32),
            pltpu.VMEM((CH, D), jnp.float32),
            pltpu.VMEM((CH, D), jnp.float32),
            pltpu.VMEM((CH, CNTW), jnp.float32),
            pltpu.VMEM_SHARED((N, D), jnp.float32),
            pltpu.VMEM_SHARED((N_CNT, CNTW), jnp.float32),
            pltpu.SemaphoreType.DMA,
            pltpu.SemaphoreType.DMA,
            pltpu.SemaphoreType.DMA,
            pltpu.SemaphoreType.DMA,
            pltpu.SemaphoreType.DMA,
            pltpu.SemaphoreType.DMA,
            pltpu.SemaphoreType.DMA,
        ],
        compiler_params=pltpu.CompilerParams(use_tc_tiling_on_sc=False,
                                             disable_bounds_checks=True),
    )
    def k(x_hbm, e_hbm, outf_hbm, outc_hbm,
          row_v, col_v, buf0, buf1, buf2, ones_v, accf, accc,
          gs0, gs1, gs2, fs0, fs1, fs2, cs):
        core = lax.axis_index("c")
        sub = lax.axis_index("s")
        wid = core * NS + sub
        base = sub * ROWS_PER_TILE
        cbase = sub * CNT_ROWS_PER_TILE

        zeros16 = jnp.zeros((16,), jnp.float32)

        @pl.loop(0, CH)
        def _(r):
            ones_v[r, pl.ds(0, 16)] = zeros16

            @pl.loop(0, D // 16)
            def _(j):
                buf0[r, pl.ds(j * 16, 16)] = zeros16

        h0 = pltpu.async_copy(e_hbm.at[0, wid], row_v, cs)
        h1 = pltpu.async_copy(e_hbm.at[1, wid], col_v, cs)

        @pl.loop(0, ROWS_PER_TILE // CH)
        def _(b):
            pltpu.sync_copy(buf0, accf.at[pl.ds(base + b * CH, CH)])

        rem = ROWS_PER_TILE % CH
        if rem:
            pltpu.sync_copy(buf0.at[pl.ds(0, rem)],
                            accf.at[pl.ds(base + ROWS_PER_TILE - rem, rem)])

        @pl.loop(0, CNT_ROWS_PER_TILE // CH)
        def _(b):
            pltpu.sync_copy(ones_v, accc.at[pl.ds(cbase + b * CH, CH)])

        crem = CNT_ROWS_PER_TILE % CH
        if crem:
            pltpu.sync_copy(
                ones_v.at[pl.ds(0, crem)],
                accc.at[pl.ds(cbase + CNT_ROWS_PER_TILE - crem, crem)])

        ones16 = jnp.ones((16,), jnp.float32)

        @pl.loop(0, CH)
        def _(r):
            ones_v[r, pl.ds(0, 16)] = ones16

        h0.wait()
        h1.wait()

        plsc.subcore_barrier()

        pltpu.async_copy(x_hbm.at[col_v.at[0, 0]], buf0, gs0)
        pltpu.async_copy(x_hbm.at[col_v.at[1, 0]], buf1, gs1)
        pltpu.async_copy(x_hbm.at[col_v.at[2, 0]], buf2, gs2)

        @pl.loop(0, NCH - 1, step=3)
        def _(c):
            pltpu.make_async_copy(x_hbm.at[col_v.at[c, 0]], buf0, gs0).wait()
            f0 = pltpu.async_copy(buf0, accf.at[row_v.at[c, 0]], fs0,
                                  add=True)
            pltpu.make_async_copy(x_hbm.at[col_v.at[c + 1, 0]], buf1,
                                  gs1).wait()
            f1 = pltpu.async_copy(buf1, accf.at[row_v.at[c + 1, 0]], fs1,
                                  add=True)
            pltpu.make_async_copy(x_hbm.at[col_v.at[c + 2, 0]], buf2,
                                  gs2).wait()
            f2 = pltpu.async_copy(buf2, accf.at[row_v.at[c + 2, 0]], fs2,
                                  add=True)
            cc0 = pltpu.async_copy(ones_v, accc.at[row_v.at[c, 0]], cs,
                                   add=True)
            cc1 = pltpu.async_copy(ones_v, accc.at[row_v.at[c + 1, 0]], cs,
                                   add=True)
            cc2 = pltpu.async_copy(ones_v, accc.at[row_v.at[c + 2, 0]], cs,
                                   add=True)
            f0.wait()
            pltpu.async_copy(x_hbm.at[col_v.at[c + 3, 0]], buf0, gs0)
            f1.wait()
            c4 = jnp.minimum(c + 4, NCH - 1)
            pltpu.async_copy(x_hbm.at[col_v.at[c4, 0]], buf1, gs1)
            f2.wait()
            c5 = jnp.minimum(c + 5, NCH - 1)
            pltpu.async_copy(x_hbm.at[col_v.at[c5, 0]], buf2, gs2)
            cc0.wait()
            cc1.wait()
            cc2.wait()

        pltpu.make_async_copy(x_hbm.at[col_v.at[NCH - 1, 0]], buf0,
                              gs0).wait()
        pltpu.sync_copy(buf0, accf.at[row_v.at[NCH - 1, 0]], add=True)
        pltpu.sync_copy(ones_v, accc.at[row_v.at[NCH - 1, 0]], add=True)
        pltpu.make_async_copy(x_hbm.at[col_v.at[NCH - 1, 0]], buf1,
                              gs1).wait()
        pltpu.make_async_copy(x_hbm.at[col_v.at[NCH - 1, 0]], buf2,
                              gs2).wait()

        plsc.subcore_barrier()

        pltpu.sync_copy(accf.at[pl.ds(base, ROWS_PER_TILE)],
                        outf_hbm.at[core, pl.ds(base, ROWS_PER_TILE)])
        pltpu.sync_copy(accc.at[pl.ds(cbase, CNT_ROWS_PER_TILE)],
                        outc_hbm.at[core, pl.ds(cbase, CNT_ROWS_PER_TILE)])

    return k(x, e_r)


def _tc_finish(pf, cnt, x, wn_t, wr_t, bias2):
    blk = 2000

    def body(p_ref, c_ref, x_ref, wn_ref, wr_ref, b_ref, o_ref):
        s = p_ref[0] + p_ref[1]
        aggr = s / jnp.maximum(c_ref[...], 1.0)
        out = jnp.dot(aggr, wn_ref[...], preferred_element_type=jnp.float32)
        out = out + jnp.dot(x_ref[...], wr_ref[...],
                            preferred_element_type=jnp.float32)
        o_ref[...] = out + b_ref[...]

    return pl.pallas_call(
        body,
        grid=(N // blk,),
        in_specs=[
            pl.BlockSpec((NC, blk, D), lambda i: (0, i, 0)),
            pl.BlockSpec((blk, 1), lambda i: (i, 0)),
            pl.BlockSpec((blk, D), lambda i: (i, 0)),
            pl.BlockSpec((D, D), lambda i: (0, 0)),
            pl.BlockSpec((D, D), lambda i: (0, 0)),
            pl.BlockSpec((1, D), lambda i: (0, 0)),
        ],
        out_specs=pl.BlockSpec((blk, D), lambda i: (i, 0)),
        out_shape=jax.ShapeDtypeStruct((N, D), jnp.float32),
    )(pf, cnt, x, wn_t, wr_t, bias2)


def kernel(x, edge_index, W_neigh, W_root, bias):
    e_r = edge_index.astype(jnp.int32).reshape(2, NW, NCH, 1, CH)
    pf, pc = _sc_gather_scatter(x, e_r)
    cnt = (pc[0] + pc[1])[:N, :1]
    return _tc_finish(pf, cnt, x, W_neigh.T, W_root.T, bias.reshape(1, D))

# --- scband reference (transcript-rebuilt; emitter-appended) ---
"""Pipeline reference for scband-graph-sageconv-81003083203030 (READ-ONLY COPY).

The authoritative reference and input builder live on the scoring server;
editing this copy changes nothing except your own understanding.
"""

import jax, jax.numpy as jnp
import numpy as np

N = 10000
E = 320000
D_IN = 128
D_OUT = 128

def setup_inputs(seed: int = 0) -> dict:
    key = jax.random.key(seed)
    k1, k2, k3, k4, k5 = jax.random.split(key, 5)
    x = jax.random.normal(k1, (N, D_IN), dtype=jnp.float32)
    edge_index = jax.random.randint(k2, (2, E), 0, N)
    # Learned parameters (torch Linear: y = x @ W.T), kaiming-uniform-ish init
    bound_n = 1.0 / np.sqrt(D_IN)
    W_neigh = jax.random.uniform(k3, (D_OUT, D_IN), dtype=jnp.float32, minval=-bound_n, maxval=bound_n)
    W_root = jax.random.uniform(k4, (D_OUT, D_IN), dtype=jnp.float32, minval=-bound_n, maxval=bound_n)
    bias = jnp.zeros((D_OUT,), dtype=jnp.float32)
    return {"x": x, "edge_index": edge_index, "W_neigh": W_neigh, "W_root": W_root, "bias": bias}

def reference(x, edge_index, W_neigh, W_root, bias):
    row = edge_index[0]
    col = edge_index[1]
    # gather neighbor features (messages)
    msgs = jnp.take(x, col, axis=0)
    # scatter-mean into destination rows
    summed = jnp.zeros((x.shape[0], x.shape[1]), dtype=x.dtype).at[row].add(msgs)
    count = jnp.zeros((x.shape[0],), dtype=x.dtype).at[row].add(jnp.ones_like(row, dtype=x.dtype))
    count = jnp.clip(count, 1.0, None)
    aggr = summed / count[:, None]
    out = aggr @ W_neigh.T
    out = out + x @ W_root.T
    out = out + bias
    return out

if __name__ == "__main__":
    import jax
    _d = setup_inputs()
    print(jax.jit(kernel)(*tuple(_d.values())))

</pallas_src>

<mosaic_0001>
#map = affine_map<(d0, d1) -> (0, 0)>
#map1 = affine_map<(d0, d1) -> (0, 0, 0, 0, 0)>
#map2 = affine_map<(d0, d1) -> (0, 0, 0)>
module attributes {stable_mosaic.version = 14 : i64} {
  func.func @k(%arg0: i32, %arg1: i32, %arg2: memref<10000x128xf32, #tpu.memory_space<hbm>>, %arg3: memref<2x32x250x1x40xi32, #tpu.memory_space<hbm>>, %arg4: memref<2x10000x128xf32, #tpu.memory_space<hbm>>, %arg5: memref<2x10048x16xf32, #tpu.memory_space<hbm>>, %arg6: memref<250x1x40xi32, #tpu.memory_space<vmem>>, %arg7: memref<250x1x40xi32, #tpu.memory_space<vmem>>, %arg8: memref<40x128xf32, #tpu.memory_space<vmem>>, %arg9: memref<40x128xf32, #tpu.memory_space<vmem>>, %arg10: memref<40x128xf32, #tpu.memory_space<vmem>>, %arg11: memref<40x16xf32, #tpu.memory_space<vmem>>, %arg12: memref<10000x128xf32, #tpu.memory_space<vmem_shared>>, %arg13: memref<10048x16xf32, #tpu.memory_space<vmem_shared>>, %arg14: memref<!tpu.dma_semaphore, #tpu.memory_space<semaphore_mem>>, %arg15: memref<!tpu.dma_semaphore, #tpu.memory_space<semaphore_mem>>, %arg16: memref<!tpu.dma_semaphore, #tpu.memory_space<semaphore_mem>>, %arg17: memref<!tpu.dma_semaphore, #tpu.memory_space<semaphore_mem>>, %arg18: memref<!tpu.dma_semaphore, #tpu.memory_space<semaphore_mem>>, %arg19: memref<!tpu.dma_semaphore, #tpu.memory_space<semaphore_mem>>, %arg20: memref<!tpu.dma_semaphore, #tpu.memory_space<semaphore_mem>>) attributes {dimension_semantics = [#tpu.dimension_semantics<core_parallel>, #tpu.dimension_semantics<subcore_parallel>], iteration_bounds = array<i64: 2, 16>, scalar_prefetch = 0 : i64, scratch_operands = 15 : i64, tpu.core_type = #tpu.core_type<sc_vector_subcore>, window_params = [{transform_indices = #map}, {transform_indices = #map1}, {transform_indices = #map2}, {transform_indices = #map2}]} {
    %mul3A = arith.constant 16 : i32
    %mul3A_0 = arith.muli %arg0, %mul3A : i32
    %add3A = arith.addi %mul3A_0, %arg1 : i32
    %mul3A_1 = arith.constant 625 : i32
    %mul3A_2 = arith.muli %arg1, %mul3A_1 : i32
    %mul3A_3 = arith.constant 628 : i32
    %mul3A_4 = arith.muli %arg1, %mul3A_3 : i32
    %broadcast_in_dim3A = arith.constant 0.000000e+00 : f32
    %broadcast_in_dim3A_5 = vector.broadcast %broadcast_in_dim3A : f32 to vector<16xf32>
    %scan3A = arith.constant 0 : i32
    %scan3A_6 = arith.constant 40 : i32
    %scan3A_7 = arith.addi %scan3A, %scan3A_6 : i32
    %scan3A_8 = arith.constant 1 : i32
    scf.for %scan3A_133 = %scan3A to %scan3A_7 step %scan3A_8  : i32 {
      %mul3A_134 = arith.constant 1 : i32
      %mul3A_135 = arith.muli %scan3A_133, %mul3A_134 : i32
      %add3A_136 = arith.constant 0 : i32
      %add3A_137 = arith.addi %add3A_136, %mul3A_135 : i32
      %swap3A = arith.index_cast %add3A_137 : i32 to index
      %swap3A_138 = arith.constant 0 : index
      %swap3A_139 = tpu.vector_load %arg11[%swap3A, %swap3A_138] {strides = array<i32>} : memref<40x16xf32, #tpu.memory_space<vmem>>, vector<1x16xf32>,
      %swap3A_140 = vector.shape_cast %swap3A_139 : vector<1x16xf32> to vector<16xf32>
      %swap3A_141 = vector.shape_cast %broadcast_in_dim3A_5 : vector<16xf32> to vector<1x16xf32>
      tpu.vector_store %arg11[%swap3A, %swap3A_138], %swap3A_141 {strides = array<i32>} : memref<40x16xf32, #tpu.memory_space<vmem>>, vector<1x16xf32>,
      %scan3A_142 = arith.constant 0 : i32
      %scan3A_143 = arith.constant 8 : i32
      %scan3A_144 = arith.addi %scan3A_142, %scan3A_143 : i32
      %scan3A_145 = arith.constant 1 : i32
      scf.for %scan3A_147 = %scan3A_142 to %scan3A_144 step %scan3A_145  : i32 {
        %mul3A_148 = arith.constant 1 : i32
        %mul3A_149 = arith.muli %scan3A_147, %mul3A_148 : i32
        %add3A_150 = arith.constant 0 : i32
        %add3A_151 = arith.addi %add3A_150, %mul3A_149 : i32
        %mul3A_152 = arith.constant 16 : i32
        %mul3A_153 = arith.muli %add3A_151, %mul3A_152 : i32
        %swap3A_154 = arith.index_cast %add3A_137 : i32 to index
        %swap3A_155 = arith.index_cast %mul3A_153 : i32 to index
        %swap3A_156 = tpu.vector_load %arg8[%swap3A_154, %swap3A_155] {strides = array<i32>} : memref<40x128xf32, #tpu.memory_space<vmem>>, vector<1x16xf32>,
        %swap3A_157 = vector.shape_cast %swap3A_156 : vector<1x16xf32> to vector<16xf32>
        %swap3A_158 = vector.shape_cast %broadcast_in_dim3A_5 : vector<16xf32> to vector<1x16xf32>
        tpu.vector_store %arg8[%swap3A_154, %swap3A_155], %swap3A_158 {strides = array<i32>} : memref<40x128xf32, #tpu.memory_space<vmem>>, vector<1x16xf32>,
      }
      %scan3A_146 = arith.constant 8 : i32
    }
    %scan3A_9 = arith.constant 40 : i32
    %dma_start3A = arith.constant 0 : i32
    %dma_start3A_10 = arith.constant 0 : i32
    %dma_start3A_11 = arith.constant 0 : i32
    %dma_start3A_12 = arith.constant 0 : i32
    %dma_start3A_13 = tpu.memref_slice %arg3[%dma_start3A, %add3A, %dma_start3A_10, %dma_start3A_11, %dma_start3A_12] : memref<2x32x250x1x40xi32, #tpu.memory_space<hbm>> -> memref<1x1x250x1x40xi32, #tpu.memory_space<hbm>>
    %dma_start3A_14 = tpu.memref_squeeze %dma_start3A_13 : memref<1x1x250x1x40xi32, #tpu.memory_space<hbm>> -> memref<250x1x40xi32, #tpu.memory_space<hbm>>
    %dma_start3A_15 = arith.constant 0 : i32
    %dma_start3A_16 = arith.constant 0 : i32
    %dma_start3A_17 = arith.constant 0 : i32
    %dma_start3A_18 = tpu.memref_slice %arg3[%dma_start3A, %add3A, %dma_start3A_15, %dma_start3A_16, %dma_start3A_17] : memref<2x32x250x1x40xi32, #tpu.memory_space<hbm>> -> memref<1x1x250x1x40xi32, #tpu.memory_space<hbm>>
    %dma_start3A_19 = tpu.memref_squeeze %dma_start3A_18 : memref<1x1x250x1x40xi32, #tpu.memory_space<hbm>> -> memref<250x1x40xi32, #tpu.memory_space<hbm>>
    tpu.enqueue_dma source(%dma_start3A_19 : memref<250x1x40xi32, #tpu.memory_space<hbm>>) target(%arg6 : memref<250x1x40xi32, #tpu.memory_space<vmem>>) target_semaphore(%arg20 : memref<!tpu.dma_semaphore, #tpu.memory_space<semaphore_mem>>)
    %dma_start3A_20 = arith.constant 1 : i32
    %dma_start3A_21 = arith.constant 0 : i32
    %dma_start3A_22 = arith.constant 0 : i32
    %dma_start3A_23 = arith.constant 0 : i32
    %dma_start3A_24 = tpu.memref_slice %arg3[%dma_start3A_20, %add3A, %dma_start3A_21, %dma_start3A_22, %dma_start3A_23] : memref<2x32x250x1x40xi32, #tpu.memory_space<hbm>> -> memref<1x1x250x1x40xi32, #tpu.memory_space<hbm>>
    %dma_start3A_25 = tpu.memref_squeeze %dma_start3A_24 : memref<1x1x250x1x40xi32, #tpu.memory_space<hbm>> -> memref<250x1x40xi32, #tpu.memory_space<hbm>>
    %dma_start3A_26 = arith.constant 0 : i32
    %dma_start3A_27 = arith.constant 0 : i32
    %dma_start3A_28 = arith.constant 0 : i32
    %dma_start3A_29 = tpu.memref_slice %arg3[%dma_start3A_20, %add3A, %dma_start3A_26, %dma_start3A_27, %dma_start3A_28] : memref<2x32x250x1x40xi32, #tpu.memory_space<hbm>> -> memref<1x1x250x1x40xi32, #tpu.memory_space<hbm>>
    %dma_start3A_30 = tpu.memref_squeeze %dma_start3A_29 : memref<1x1x250x1x40xi32, #tpu.memory_space<hbm>> -> memref<250x1x40xi32, #tpu.memory_space<hbm>>
    tpu.enqueue_dma source(%dma_start3A_30 : memref<250x1x40xi32, #tpu.memory_space<hbm>>) target(%arg7 : memref<250x1x40xi32, #tpu.memory_space<vmem>>) target_semaphore(%arg20 : memref<!tpu.dma_semaphore, #tpu.memory_space<semaphore_mem>>)
    %scan3A_31 = arith.constant 0 : i32
    %scan3A_32 = arith.constant 15 : i32
    %scan3A_33 = arith.addi %scan3A_31, %scan3A_32 : i32
    %scan3A_34 = arith.constant 1 : i32
    scf.for %scan3A_133 = %scan3A_31 to %scan3A_33 step %scan3A_34  : i32 {
      %mul3A_134 = arith.constant 1 : i32
      %mul3A_135 = arith.muli %scan3A_133, %mul3A_134 : i32
      %add3A_136 = arith.constant 0 : i32
      %add3A_137 = arith.addi %add3A_136, %mul3A_135 : i32
      %mul3A_138 = arith.constant 40 : i32
      %mul3A_139 = arith.muli %add3A_137, %mul3A_138 : i32
      %add3A_140 = arith.addi %mul3A_2, %mul3A_139 : i32
      "tpu.region"() ({
        %run_scoped3A_141 = tpu.sem_alloc : memref<!tpu.dma_semaphore, #tpu.memory_space<semaphore_mem>>
        %dma_start3A_142 = arith.constant 0 : i32
        %dma_start3A_143 = tpu.memref_slice %arg12[%add3A_140, %dma_start3A_142] : memref<10000x128xf32, #tpu.memory_space<vmem_shared>> -> memref<40x128xf32, #tpu.memory_space<vmem_shared>>
        %dma_start3A_144 = arith.constant 0 : i32
        %dma_start3A_145 = tpu.memref_slice %arg12[%add3A_140, %dma_start3A_144] : memref<10000x128xf32, #tpu.memory_space<vmem_shared>> -> memref<40x128xf32, #tpu.memory_space<vmem_shared>>
        tpu.enqueue_dma source(%arg8 : memref<40x128xf32, #tpu.memory_space<vmem>>) target(%dma_start3A_145 : memref<40x128xf32, #tpu.memory_space<vmem_shared>>) target_semaphore(%run_scoped3A_141 : memref<!tpu.dma_semaphore, #tpu.memory_space<semaphore_mem>>)
        %dma_wait3A_146 = arith.constant 0 : i32
        %dma_wait3A_147 = tpu.memref_slice %arg12[%add3A_140, %dma_wait3A_146] : memref<10000x128xf32, #tpu.memory_space<vmem_shared>> -> memref<40x128xf32, #tpu.memory_space<vmem_shared>>
        %dma_wait3A_148 = arith.constant 0 : i32
        %dma_wait3A_149 = tpu.memref_slice %arg12[%add3A_140, %dma_wait3A_148] : memref<10000x128xf32, #tpu.memory_space<vmem_shared>> -> memref<40x128xf32, #tpu.memory_space<vmem_shared>>
        tpu.wait_dma2 semaphore(%run_scoped3A_141 : memref<!tpu.dma_semaphore, #tpu.memory_space<semaphore_mem>>) src(%arg8 : memref<40x128xf32, #tpu.memory_space<vmem>>) dst(%dma_wait3A_149 : memref<40x128xf32, #tpu.memory_space<vmem_shared>>)
        tpu.yield
      }) : () -> ()
    }
    %scan3A_35 = arith.constant 15 : i32
    %add3A_36 = arith.constant 625 : i32
    %add3A_37 = arith.addi %mul3A_2, %add3A_36 : i32
    %sub3A = arith.constant 25 : i32
    %sub3A_38 = arith.subi %add3A_37, %sub3A : i32
    "tpu.region"() ({
      %run_scoped3A_133 = tpu.sem_alloc : memref<!tpu.dma_semaphore, #tpu.memory_space<semaphore_mem>>
      %dma_start3A_134 = arith.constant 0 : i32
      %dma_start3A_135 = arith.constant 0 : i32
      %dma_start3A_136 = tpu.memref_slice %arg8[%dma_start3A_134, %dma_start3A_135] : memref<40x128xf32, #tpu.memory_space<vmem>> -> memref<25x128xf32, #tpu.memory_space<vmem>>
      %dma_start3A_137 = arith.constant 0 : i32
      %dma_start3A_138 = tpu.memref_slice %arg12[%sub3A_38, %dma_start3A_137] : memref<10000x128xf32, #tpu.memory_space<vmem_shared>> -> memref<25x128xf32, #tpu.memory_space<vmem_shared>>
      %dma_start3A_139 = arith.constant 0 : i32
      %dma_start3A_140 = tpu.memref_slice %arg12[%sub3A_38, %dma_start3A_139] : memref<10000x128xf32, #tpu.memory_space<vmem_shared>> -> memref<25x128xf32, #tpu.memory_space<vmem_shared>>
      %dma_start3A_141 = arith.constant 0 : i32
      %dma_start3A_142 = arith.constant 0 : i32
      %dma_start3A_143 = tpu.memref_slice %arg8[%dma_start3A_141, %dma_start3A_142] : memref<40x128xf32, #tpu.memory_space<vmem>> -> memref<25x128xf32, #tpu.memory_space<vmem>>
      tpu.enqueue_dma source(%dma_start3A_143 : memref<25x128xf32, #tpu.memory_space<vmem>>) target(%dma_start3A_140 : memref<25x128xf32, #tpu.memory_space<vmem_shared>>) target_semaphore(%run_scoped3A_133 : memref<!tpu.dma_semaphore, #tpu.memory_space<semaphore_mem>>)
      %dma_wait3A_144 = arith.constant 0 : i32
      %dma_wait3A_145 = arith.constant 0 : i32
      %dma_wait3A_146 = tpu.memref_slice %arg8[%dma_wait3A_144, %dma_wait3A_145] : memref<40x128xf32, #tpu.memory_space<vmem>> -> memref<25x128xf32, #tpu.memory_space<vmem>>
      %dma_wait3A_147 = arith.constant 0 : i32
      %dma_wait3A_148 = tpu.memref_slice %arg12[%sub3A_38, %dma_wait3A_147] : memref<10000x128xf32, #tpu.memory_space<vmem_shared>> -> memref<25x128xf32, #tpu.memory_space<vmem_shared>>
      %dma_wait3A_149 = arith.constant 0 : i32
      %dma_wait3A_150 = tpu.memref_slice %arg12[%sub3A_38, %dma_wait3A_149] : memref<10000x128xf32, #tpu.memory_space<vmem_shared>> -> memref<25x128xf32, #tpu.memory_space<vmem_shared>>
      %dma_wait3A_151 = arith.constant 0 : i32
      %dma_wait3A_152 = arith.constant 0 : i32
      %dma_wait3A_153 = tpu.memref_slice %arg8[%dma_wait3A_151, %dma_wait3A_152] : memref<40x128xf32, #tpu.memory_space<vmem>> -> memref<25x128xf32, #tpu.memory_space<vmem>>
      tpu.wait_dma2 semaphore(%run_scoped3A_133 : memref<!tpu.dma_semaphore, #tpu.memory_space<semaphore_mem>>) src(%dma_wait3A_153 : memref<25x128xf32, #tpu.memory_space<vmem>>) dst(%dma_wait3A_150 : memref<25x128xf32, #tpu.memory_space<vmem_shared>>)
      tpu.yield
    }) : () -> ()
    %scan3A_39 = arith.constant 0 : i32
    %scan3A_40 = arith.constant 15 : i32
    %scan3A_41 = arith.addi %scan3A_39, %scan3A_40 : i32
    %scan3A_42 = arith.constant 1 : i32
    scf.for %scan3A_133 = %scan3A_39 to %scan3A_41 step %scan3A_42  : i32 {
      %mul3A_134 = arith.constant 1 : i32
      %mul3A_135 = arith.muli %scan3A_133, %mul3A_134 : i32
      %add3A_136 = arith.constant 0 : i32
      %add3A_137 = arith.addi %add3A_136, %mul3A_135 : i32
      %mul3A_138 = arith.constant 40 : i32
      %mul3A_139 = arith.muli %add3A_137, %mul3A_138 : i32
      %add3A_140 = arith.addi %mul3A_4, %mul3A_139 : i32
      "tpu.region"() ({
        %run_scoped3A_141 = tpu.sem_alloc : memref<!tpu.dma_semaphore, #tpu.memory_space<semaphore_mem>>
        %dma_start3A_142 = arith.constant 0 : i32
        %dma_start3A_143 = tpu.memref_slice %arg13[%add3A_140, %dma_start3A_142] : memref<10048x16xf32, #tpu.memory_space<vmem_shared>> -> memref<40x16xf32, #tpu.memory_space<vmem_shared>>
        %dma_start3A_144 = arith.constant 0 : i32
        %dma_start3A_145 = tpu.memref_slice %arg13[%add3A_140, %dma_start3A_144] : memref<10048x16xf32, #tpu.memory_space<vmem_shared>> -> memref<40x16xf32, #tpu.memory_space<vmem_shared>>
        tpu.enqueue_dma source(%arg11 : memref<40x16xf32, #tpu.memory_space<vmem>>) target(%dma_start3A_145 : memref<40x16xf32, #tpu.memory_space<vmem_shared>>) target_semaphore(%run_scoped3A_141 : memref<!tpu.dma_semaphore, #tpu.memory_space<semaphore_mem>>)
        %dma_wait3A_146 = arith.constant 0 : i32
        %dma_wait3A_147 = tpu.memref_slice %arg13[%add3A_140, %dma_wait3A_146] : memref<10048x16xf32, #tpu.memory_space<vmem_shared>> -> memref<40x16xf32, #tpu.memory_space<vmem_shared>>
        %dma_wait3A_148 = arith.constant 0 : i32
        %dma_wait3A_149 = tpu.memref_slice %arg13[%add3A_140, %dma_wait3A_148] : memref<10048x16xf32, #tpu.memory_space<vmem_shared>> -> memref<40x16xf32, #tpu.memory_space<vmem_shared>>
        tpu.wait_dma2 semaphore(%run_scoped3A_141 : memref<!tpu.dma_semaphore, #tpu.memory_space<semaphore_mem>>) src(%arg11 : memref<40x16xf32, #tpu.memory_space<vmem>>) dst(%dma_wait3A_149 : memref<40x16xf32, #tpu.memory_space<vmem_shared>>)
        tpu.yield
      }) : () -> ()
    }
    %scan3A_43 = arith.constant 15 : i32
    %add3A_44 = arith.constant 628 : i32
    %add3A_45 = arith.addi %mul3A_4, %add3A_44 : i32
    %sub3A_46 = arith.constant 28 : i32
    %sub3A_47 = arith.subi %add3A_45, %sub3A_46 : i32
    "tpu.region"() ({
      %run_scoped3A_133 = tpu.sem_alloc : memref<!tpu.dma_semaphore, #tpu.memory_space<semaphore_mem>>
      %dma_start3A_134 = arith.constant 0 : i32
      %dma_start3A_135 = arith.constant 0 : i32
      %dma_start3A_136 = tpu.memref_slice %arg11[%dma_start3A_134, %dma_start3A_135] : memref<40x16xf32, #tpu.memory_space<vmem>> -> memref<28x16xf32, #tpu.memory_space<vmem>>
      %dma_start3A_137 = arith.constant 0 : i32
      %dma_start3A_138 = tpu.memref_slice %arg13[%sub3A_47, %dma_start3A_137] : memref<10048x16xf32, #tpu.memory_space<vmem_shared>> -> memref<28x16xf32, #tpu.memory_space<vmem_shared>>
      %dma_start3A_139 = arith.constant 0 : i32
      %dma_start3A_140 = tpu.memref_slice %arg13[%sub3A_47, %dma_start3A_139] : memref<10048x16xf32, #tpu.memory_space<vmem_shared>> -> memref<28x16xf32, #tpu.memory_space<vmem_shared>>
      %dma_start3A_141 = arith.constant 0 : i32
      %dma_start3A_142 = arith.constant 0 : i32
      %dma_start3A_143 = tpu.memref_slice %arg11[%dma_start3A_141, %dma_start3A_142] : memref<40x16xf32, #tpu.memory_space<vmem>> -> memref<28x16xf32, #tpu.memory_space<vmem>>
      tpu.enqueue_dma source(%dma_start3A_143 : memref<28x16xf32, #tpu.memory_space<vmem>>) target(%dma_start3A_140 : memref<28x16xf32, #tpu.memory_space<vmem_shared>>) target_semaphore(%run_scoped3A_133 : memref<!tpu.dma_semaphore, #tpu.memory_space<semaphore_mem>>)
      %dma_wait3A_144 = arith.constant 0 : i32
      %dma_wait3A_145 = arith.constant 0 : i32
      %dma_wait3A_146 = tpu.memref_slice %arg11[%dma_wait3A_144, %dma_wait3A_145] : memref<40x16xf32, #tpu.memory_space<vmem>> -> memref<28x16xf32, #tpu.memory_space<vmem>>
      %dma_wait3A_147 = arith.constant 0 : i32
      %dma_wait3A_148 = tpu.memref_slice %arg13[%sub3A_47, %dma_wait3A_147] : memref<10048x16xf32, #tpu.memory_space<vmem_shared>> -> memref<28x16xf32, #tpu.memory_space<vmem_shared>>
      %dma_wait3A_149 = arith.constant 0 : i32
      %dma_wait3A_150 = tpu.memref_slice %arg13[%sub3A_47, %dma_wait3A_149] : memref<10048x16xf32, #tpu.memory_space<vmem_shared>> -> memref<28x16xf32, #tpu.memory_space<vmem_shared>>
      %dma_wait3A_151 = arith.constant 0 : i32
      %dma_wait3A_152 = arith.constant 0 : i32
      %dma_wait3A_153 = tpu.memref_slice %arg11[%dma_wait3A_151, %dma_wait3A_152] : memref<40x16xf32, #tpu.memory_space<vmem>> -> memref<28x16xf32, #tpu.memory_space<vmem>>
      tpu.wait_dma2 semaphore(%run_scoped3A_133 : memref<!tpu.dma_semaphore, #tpu.memory_space<semaphore_mem>>) src(%dma_wait3A_153 : memref<28x16xf32, #tpu.memory_space<vmem>>) dst(%dma_wait3A_150 : memref<28x16xf32, #tpu.memory_space<vmem_shared>>)
      tpu.yield
    }) : () -> ()
    %broadcast_in_dim3A_48 = arith.constant 1.000000e+00 : f32
    %broadcast_in_dim3A_49 = vector.broadcast %broadcast_in_dim3A_48 : f32 to vector<16xf32>
    %scan3A_50 = arith.constant 0 : i32
    %scan3A_51 = arith.constant 40 : i32
    %scan3A_52 = arith.addi %scan3A_50, %scan3A_51 : i32
    %scan3A_53 = arith.constant 1 : i32
    scf.for %scan3A_133 = %scan3A_50 to %scan3A_52 step %scan3A_53  : i32 {
      %mul3A_134 = arith.constant 1 : i32
      %mul3A_135 = arith.muli %scan3A_133, %mul3A_134 : i32
      %add3A_136 = arith.constant 0 : i32
      %add3A_137 = arith.addi %add3A_136, %mul3A_135 : i32
      %swap3A = arith.index_cast %add3A_137 : i32 to index
      %swap3A_138 = arith.constant 0 : index
      %swap3A_139 = tpu.vector_load %arg11[%swap3A, %swap3A_138] {strides = array<i32>} : memref<40x16xf32, #tpu.memory_space<vmem>>, vector<1x16xf32>,
      %swap3A_140 = vector.shape_cast %swap3A_139 : vector<1x16xf32> to vector<16xf32>
      %swap3A_141 = vector.shape_cast %broadcast_in_dim3A_49 : vector<16xf32> to vector<1x16xf32>
      tpu.vector_store %arg11[%swap3A, %swap3A_138], %swap3A_141 {strides = array<i32>} : memref<40x16xf32, #tpu.memory_space<vmem>>, vector<1x16xf32>,
    }
    %scan3A_54 = arith.constant 40 : i32
    %dma_wait3A = arith.constant 0 : i32
    %dma_wait3A_55 = arith.constant 0 : i32
    %dma_wait3A_56 = arith.constant 0 : i32
    %dma_wait3A_57 = arith.constant 0 : i32
    %dma_wait3A_58 = tpu.memref_slice %arg3[%dma_wait3A, %add3A, %dma_wait3A_55, %dma_wait3A_56, %dma_wait3A_57] : memref<2x32x250x1x40xi32, #tpu.memory_space<hbm>> -> memref<1x1x250x1x40xi32, #tpu.memory_space<hbm>>
    %dma_wait3A_59 = tpu.memref_squeeze %dma_wait3A_58 : memref<1x1x250x1x40xi32, #tpu.memory_space<hbm>> -> memref<250x1x40xi32, #tpu.memory_space<hbm>>
    %dma_wait3A_60 = arith.constant 0 : i32
    %dma_wait3A_61 = arith.constant 0 : i32
    %dma_wait3A_62 = arith.constant 0 : i32
    %dma_wait3A_63 = tpu.memref_slice %arg3[%dma_wait3A, %add3A, %dma_wait3A_60, %dma_wait3A_61, %dma_wait3A_62] : memref<2x32x250x1x40xi32, #tpu.memory_space<hbm>> -> memref<1x1x250x1x40xi32, #tpu.memory_space<hbm>>
    %dma_wait3A_64 = tpu.memref_squeeze %dma_wait3A_63 : memref<1x1x250x1x40xi32, #tpu.memory_space<hbm>> -> memref<250x1x40xi32, #tpu.memory_space<hbm>>
    tpu.wait_dma2 semaphore(%arg20 : memref<!tpu.dma_semaphore, #tpu.memory_space<semaphore_mem>>) src(%dma_wait3A_64 : memref<250x1x40xi32, #tpu.memory_space<hbm>>) dst(%arg6 : memref<250x1x40xi32, #tpu.memory_space<vmem>>)
    %dma_wait3A_65 = arith.constant 1 : i32
    %dma_wait3A_66 = arith.constant 0 : i32
    %dma_wait3A_67 = arith.constant 0 : i32
    %dma_wait3A_68 = arith.constant 0 : i32
    %dma_wait3A_69 = tpu.memref_slice %arg3[%dma_wait3A_65, %add3A, %dma_wait3A_66, %dma_wait3A_67, %dma_wait3A_68] : memref<2x32x250x1x40xi32, #tpu.memory_space<hbm>> -> memref<1x1x250x1x40xi32, #tpu.memory_space<hbm>>
    %dma_wait3A_70 = tpu.memref_squeeze %dma_wait3A_69 : memref<1x1x250x1x40xi32, #tpu.memory_space<hbm>> -> memref<250x1x40xi32, #tpu.memory_space<hbm>>
    %dma_wait3A_71 = arith.constant 0 : i32
    %dma_wait3A_72 = arith.constant 0 : i32
    %dma_wait3A_73 = arith.constant 0 : i32
    %dma_wait3A_74 = tpu.memref_slice %arg3[%dma_wait3A_65, %add3A, %dma_wait3A_71, %dma_wait3A_72, %dma_wait3A_73] : memref<2x32x250x1x40xi32, #tpu.memory_space<hbm>> -> memref<1x1x250x1x40xi32, #tpu.memory_space<hbm>>
    %dma_wait3A_75 = tpu.memref_squeeze %dma_wait3A_74 : memref<1x1x250x1x40xi32, #tpu.memory_space<hbm>> -> memref<250x1x40xi32, #tpu.memory_space<hbm>>
    tpu.wait_dma2 semaphore(%arg20 : memref<!tpu.dma_semaphore, #tpu.memory_space<semaphore_mem>>) src(%dma_wait3A_75 : memref<250x1x40xi32, #tpu.memory_space<hbm>>) dst(%arg7 : memref<250x1x40xi32, #tpu.memory_space<vmem>>)
    %barrier3A = arith.constant 0 : index
    tpu.barrier barrier_id(%barrier3A)
    %dma_start3A_76 = arith.constant 0 : i32
    %dma_start3A_77 = arith.constant 0 : i32
    %dma_start3A_78 = arith.constant 0 : i32
    %dma_start3A_79 = tpu.memref_slice %arg7[%dma_start3A_76, %dma_start3A_77, %dma_start3A_78] : memref<250x1x40xi32, #tpu.memory_space<vmem>> -> memref<1x1x40xi32, #tpu.memory_space<vmem>>
    %dma_start3A_80 = tpu.memref_squeeze %dma_start3A_79 : memref<1x1x40xi32, #tpu.memory_space<vmem>> -> memref<40xi32, #tpu.memory_space<vmem>>
    %dma_start3A_81 = arith.constant 0 : i32
    %dma_start3A_82 = arith.constant 0 : i32
    %dma_start3A_83 = tpu.memref_slice %arg2[%dma_start3A_81, %dma_start3A_82] : memref<10000x128xf32, #tpu.memory_space<hbm>> -> memref<10000x128xf32, #tpu.memory_space<hbm>>
    tpu.enqueue_indirect_dma source(%dma_start3A_83 : memref<10000x128xf32, #tpu.memory_space<hbm>>) target(%arg8 : memref<40x128xf32, #tpu.memory_space<vmem>>) offsets(%dma_start3A_80 : memref<40xi32, #tpu.memory_space<vmem>>) semaphore(%arg14 : memref<!tpu.dma_semaphore, #tpu.memory_space<semaphore_mem>>)
    %dma_start3A_84 = arith.constant 1 : i32
    %dma_start3A_85 = arith.constant 0 : i32
    %dma_start3A_86 = arith.constant 0 : i32
    %dma_start3A_87 = tpu.memref_slice %arg7[%dma_start3A_84, %dma_start3A_85, %dma_start3A_86] : memref<250x1x40xi32, #tpu.memory_space<vmem>> -> memref<1x1x40xi32, #tpu.memory_space<vmem>>
    %dma_start3A_88 = tpu.memref_squeeze %dma_start3A_87 : memref<1x1x40xi32, #tpu.memory_space<vmem>> -> memref<40xi32, #tpu.memory_space<vmem>>
    %dma_start3A_89 = arith.constant 0 : i32
    %dma_start3A_90 = arith.constant 0 : i32
    %dma_start3A_91 = tpu.memref_slice %arg2[%dma_start3A_89, %dma_start3A_90] : memref<10000x128xf32, #tpu.memory_space<hbm>> -> memref<10000x128xf32, #tpu.memory_space<hbm>>
    tpu.enqueue_indirect_dma source(%dma_start3A_91 : memref<10000x128xf32, #tpu.memory_space<hbm>>) target(%arg9 : memref<40x128xf32, #tpu.memory_space<vmem>>) offsets(%dma_start3A_88 : memref<40xi32, #tpu.memory_space<vmem>>) semaphore(%arg15 : memref<!tpu.dma_semaphore, #tpu.memory_space<semaphore_mem>>)
    %dma_start3A_92 = arith.constant 2 : i32
    %dma_start3A_93 = arith.constant 0 : i32
    %dma_start3A_94 = arith.constant 0 : i32
    %dma_start3A_95 = tpu.memref_slice %arg7[%dma_start3A_92, %dma_start3A_93, %dma_start3A_94] : memref<250x1x40xi32, #tpu.memory_space<vmem>> -> memref<1x1x40xi32, #tpu.memory_space<vmem>>
    %dma_start3A_96 = tpu.memref_squeeze %dma_start3A_95 : memref<1x1x40xi32, #tpu.memory_space<vmem>> -> memref<40xi32, #tpu.memory_space<vmem>>
    %dma_start3A_97 = arith.constant 0 : i32
    %dma_start3A_98 = arith.constant 0 : i32
    %dma_start3A_99 = tpu.memref_slice %arg2[%dma_start3A_97, %dma_start3A_98] : memref<10000x128xf32, #tpu.memory_space<hbm>> -> memref<10000x128xf32, #tpu.memory_space<hbm>>
    tpu.enqueue_indirect_dma source(%dma_start3A_99 : memref<10000x128xf32, #tpu.memory_space<hbm>>) target(%arg10 : memref<40x128xf32, #tpu.memory_space<vmem>>) offsets(%dma_start3A_96 : memref<40xi32, #tpu.memory_space<vmem>>) semaphore(%arg16 : memref<!tpu.dma_semaphore, #tpu.memory_space<semaphore_mem>>)
    %scan3A_100 = arith.constant 0 : i32
    %scan3A_101 = arith.constant 83 : i32
    %scan3A_102 = arith.addi %scan3A_100, %scan3A_101 : i32
    %scan3A_103 = arith.constant 1 : i32
    scf.for %scan3A_133 = %scan3A_100 to %scan3A_102 step %scan3A_103  : i32 {
      %mul3A_134 = arith.constant 3 : i32
      %mul3A_135 = arith.muli %scan3A_133, %mul3A_134 : i32
      %add3A_136 = arith.constant 0 : i32
      %add3A_137 = arith.addi %add3A_136, %mul3A_135 : i32
      %dma_wait3A_138 = arith.constant 0 : i32
      %dma_wait3A_139 = arith.constant 0 : i32
      %dma_wait3A_140 = tpu.memref_slice %arg7[%add3A_137, %dma_wait3A_138, %dma_wait3A_139] : memref<250x1x40xi32, #tpu.memory_space<vmem>> -> memref<1x1x40xi32, #tpu.memory_space<vmem>>
      %dma_wait3A_141 = tpu.memref_squeeze %dma_wait3A_140 : memref<1x1x40xi32, #tpu.memory_space<vmem>> -> memref<40xi32, #tpu.memory_space<vmem>>
      %dma_wait3A_142 = arith.constant 0 : i32
      %dma_wait3A_143 = arith.constant 0 : i32
      %dma_wait3A_144 = tpu.memref_slice %arg2[%dma_wait3A_142, %dma_wait3A_143] : memref<10000x128xf32, #tpu.memory_space<hbm>> -> memref<10000x128xf32, #tpu.memory_space<hbm>>
      tpu.wait_indirect_dma semaphore(%arg14 : memref<!tpu.dma_semaphore, #tpu.memory_space<semaphore_mem>>) src(%dma_wait3A_144 : memref<10000x128xf32, #tpu.memory_space<hbm>>) dst(%arg8 : memref<40x128xf32, #tpu.memory_space<vmem>>)
      %dma_start3A_145 = arith.constant 0 : i32
      %dma_start3A_146 = arith.constant 0 : i32
      %dma_start3A_147 = tpu.memref_slice %arg6[%add3A_137, %dma_start3A_145, %dma_start3A_146] : memref<250x1x40xi32, #tpu.memory_space<vmem>> -> memref<1x1x40xi32, #tpu.memory_space<vmem>>
      %dma_start3A_148 = tpu.memref_squeeze %dma_start3A_147 : memref<1x1x40xi32, #tpu.memory_space<vmem>> -> memref<40xi32, #tpu.memory_space<vmem>>
      %dma_start3A_149 = arith.constant 0 : i32
      %dma_start3A_150 = arith.constant 0 : i32
      %dma_start3A_151 = tpu.memref_slice %arg12[%dma_start3A_149, %dma_start3A_150] : memref<10000x128xf32, #tpu.memory_space<vmem_shared>> -> memref<10000x128xf32, #tpu.memory_space<vmem_shared>>
      tpu.enqueue_indirect_dma source(%arg8 : memref<40x128xf32, #tpu.memory_space<vmem>>) target(%dma_start3A_151 : memref<10000x128xf32, #tpu.memory_space<vmem_shared>>) offsets(%dma_start3A_148 : memref<40xi32, #tpu.memory_space<vmem>>) semaphore(%arg17 : memref<!tpu.dma_semaphore, #tpu.memory_space<semaphore_mem>>) {add = true}
      %add3A_152 = arith.constant 1 : i32
      %add3A_153 = arith.addi %add3A_137, %add3A_152 : i32
      %dma_wait3A_154 = arith.constant 0 : i32
      %dma_wait3A_155 = arith.constant 0 : i32
      %dma_wait3A_156 = tpu.memref_slice %arg7[%add3A_153, %dma_wait3A_154, %dma_wait3A_155] : memref<250x1x40xi32, #tpu.memory_space<vmem>> -> memref<1x1x40xi32, #tpu.memory_space<vmem>>
      %dma_wait3A_157 = tpu.memref_squeeze %dma_wait3A_156 : memref<1x1x40xi32, #tpu.memory_space<vmem>> -> memref<40xi32, #tpu.memory_space<vmem>>
      %dma_wait3A_158 = arith.constant 0 : i32
      %dma_wait3A_159 = arith.constant 0 : i32
      %dma_wait3A_160 = tpu.memref_slice %arg2[%dma_wait3A_158, %dma_wait3A_159] : memref<10000x128xf32, #tpu.memory_space<hbm>> -> memref<10000x128xf32, #tpu.memory_space<hbm>>
      tpu.wait_indirect_dma semaphore(%arg15 : memref<!tpu.dma_semaphore, #tpu.memory_space<semaphore_mem>>) src(%dma_wait3A_160 : memref<10000x128xf32, #tpu.memory_space<hbm>>) dst(%arg9 : memref<40x128xf32, #tpu.memory_space<vmem>>)
      %add3A_161 = arith.constant 1 : i32
      %add3A_162 = arith.addi %add3A_137, %add3A_161 : i32
      %dma_start3A_163 = arith.constant 0 : i32
      %dma_start3A_164 = arith.constant 0 : i32
      %dma_start3A_165 = tpu.memref_slice %arg6[%add3A_162, %dma_start3A_163, %dma_start3A_164] : memref<250x1x40xi32, #tpu.memory_space<vmem>> -> memref<1x1x40xi32, #tpu.memory_space<vmem>>
      %dma_start3A_166 = tpu.memref_squeeze %dma_start3A_165 : memref<1x1x40xi32, #tpu.memory_space<vmem>> -> memref<40xi32, #tpu.memory_space<vmem>>
      %dma_start3A_167 = arith.constant 0 : i32
      %dma_start3A_168 = arith.constant 0 : i32
      %dma_start3A_169 = tpu.memref_slice %arg12[%dma_start3A_167, %dma_start3A_168] : memref<10000x128xf32, #tpu.memory_space<vmem_shared>> -> memref<10000x128xf32, #tpu.memory_space<vmem_shared>>
      tpu.enqueue_indirect_dma source(%arg9 : memref<40x128xf32, #tpu.memory_space<vmem>>) target(%dma_start3A_169 : memref<10000x128xf32, #tpu.memory_space<vmem_shared>>) offsets(%dma_start3A_166 : memref<40xi32, #tpu.memory_space<vmem>>) semaphore(%arg18 : memref<!tpu.dma_semaphore, #tpu.memory_space<semaphore_mem>>) {add = true}
      %add3A_170 = arith.constant 2 : i32
      %add3A_171 = arith.addi %add3A_137, %add3A_170 : i32
      %dma_wait3A_172 = arith.constant 0 : i32
      %dma_wait3A_173 = arith.constant 0 : i32
      %dma_wait3A_174 = tpu.memref_slice %arg7[%add3A_171, %dma_wait3A_172, %dma_wait3A_173] : memref<250x1x40xi32, #tpu.memory_space<vmem>> -> memref<1x1x40xi32, #tpu.memory_space<vmem>>
      %dma_wait3A_175 = tpu.memref_squeeze %dma_wait3A_174 : memref<1x1x40xi32, #tpu.memory_space<vmem>> -> memref<40xi32, #tpu.memory_space<vmem>>
      %dma_wait3A_176 = arith.constant 0 : i32
      %dma_wait3A_177 = arith.constant 0 : i32
      %dma_wait3A_178 = tpu.memref_slice %arg2[%dma_wait3A_176, %dma_wait3A_177] : memref<10000x128xf32, #tpu.memory_space<hbm>> -> memref<10000x128xf32, #tpu.memory_space<hbm>>
      tpu.wait_indirect_dma semaphore(%arg16 : memref<!tpu.dma_semaphore, #tpu.memory_space<semaphore_mem>>) src(%dma_wait3A_178 : memref<10000x128xf32, #tpu.memory_space<hbm>>) dst(%arg10 : memref<40x128xf32, #tpu.memory_space<vmem>>)
      %add3A_179 = arith.constant 2 : i32
      %add3A_180 = arith.addi %add3A_137, %add3A_179 : i32
      %dma_start3A_181 = arith.constant 0 : i32
      %dma_start3A_182 = arith.constant 0 : i32
      %dma_start3A_183 = tpu.memref_slice %arg6[%add3A_180, %dma_start3A_181, %dma_start3A_182] : memref<250x1x40xi32, #tpu.memory_space<vmem>> -> memref<1x1x40xi32, #tpu.memory_space<vmem>>
      %dma_start3A_184 = tpu.memref_squeeze %dma_start3A_183 : memref<1x1x40xi32, #tpu.memory_space<vmem>> -> memref<40xi32, #tpu.memory_space<vmem>>
      %dma_start3A_185 = arith.constant 0 : i32
      %dma_start3A_186 = arith.constant 0 : i32
      %dma_start3A_187 = tpu.memref_slice %arg12[%dma_start3A_185, %dma_start3A_186] : memref<10000x128xf32, #tpu.memory_space<vmem_shared>> -> memref<10000x128xf32, #tpu.memory_space<vmem_shared>>
      tpu.enqueue_indirect_dma source(%arg10 : memref<40x128xf32, #tpu.memory_space<vmem>>) target(%dma_start3A_187 : memref<10000x128xf32, #tpu.memory_space<vmem_shared>>) offsets(%dma_start3A_184 : memref<40xi32, #tpu.memory_space<vmem>>) semaphore(%arg19 : memref<!tpu.dma_semaphore, #tpu.memory_space<semaphore_mem>>) {add = true}
      %dma_start3A_188 = arith.constant 0 : i32
      %dma_start3A_189 = arith.constant 0 : i32
      %dma_start3A_190 = tpu.memref_slice %arg6[%add3A_137, %dma_start3A_188, %dma_start3A_189] : memref<250x1x40xi32, #tpu.memory_space<vmem>> -> memref<1x1x40xi32, #tpu.memory_space<vmem>>
      %dma_start3A_191 = tpu.memref_squeeze %dma_start3A_190 : memref<1x1x40xi32, #tpu.memory_space<vmem>> -> memref<40xi32, #tpu.memory_space<vmem>>
      %dma_start3A_192 = arith.constant 0 : i32
      %dma_start3A_193 = arith.constant 0 : i32
      %dma_start3A_194 = tpu.memref_slice %arg13[%dma_start3A_192, %dma_start3A_193] : memref<10048x16xf32, #tpu.memory_space<vmem_shared>> -> memref<10048x16xf32, #tpu.memory_space<vmem_shared>>
      tpu.enqueue_indirect_dma source(%arg11 : memref<40x16xf32, #tpu.memory_space<vmem>>) target(%dma_start3A_194 : memref<10048x16xf32, #tpu.memory_space<vmem_shared>>) offsets(%dma_start3A_191 : memref<40xi32, #tpu.memory_space<vmem>>) semaphore(%arg20 : memref<!tpu.dma_semaphore, #tpu.memory_space<semaphore_mem>>) {add = true}
      %add3A_195 = arith.constant 1 : i32
      %add3A_196 = arith.addi %add3A_137, %add3A_195 : i32
      %dma_start3A_197 = arith.constant 0 : i32
      %dma_start3A_198 = arith.constant 0 : i32
      %dma_start3A_199 = tpu.memref_slice %arg6[%add3A_196, %dma_start3A_197, %dma_start3A_198] : memref<250x1x40xi32, #tpu.memory_space<vmem>> -> memref<1x1x40xi32, #tpu.memory_space<vmem>>
      %dma_start3A_200 = tpu.memref_squeeze %dma_start3A_199 : memref<1x1x40xi32, #tpu.memory_space<vmem>> -> memref<40xi32, #tpu.memory_space<vmem>>
      %dma_start3A_201 = arith.constant 0 : i32
      %dma_start3A_202 = arith.constant 0 : i32
      %dma_start3A_203 = tpu.memref_slice %arg13[%dma_start3A_201, %dma_start3A_202] : memref<10048x16xf32, #tpu.memory_space<vmem_shared>> -> memref<10048x16xf32, #tpu.memory_space<vmem_shared>>
      tpu.enqueue_indirect_dma source(%arg11 : memref<40x16xf32, #tpu.memory_space<vmem>>) target(%dma_start3A_203 : memref<10048x16xf32, #tpu.memory_space<vmem_shared>>) offsets(%dma_start3A_200 : memref<40xi32, #tpu.memory_space<vmem>>) semaphore(%arg20 : memref<!tpu.dma_semaphore, #tpu.memory_space<semaphore_mem>>) {add = true}
      %add3A_204 = arith.constant 2 : i32
      %add3A_205 = arith.addi %add3A_137, %add3A_204 : i32
      %dma_start3A_206 = arith.constant 0 : i32
      %dma_start3A_207 = arith.constant 0 : i32
      %dma_start3A_208 = tpu.memref_slice %arg6[%add3A_205, %dma_start3A_206, %dma_start3A_207] : memref<250x1x40xi32, #tpu.memory_space<vmem>> -> memref<1x1x40xi32, #tpu.memory_space<vmem>>
      %dma_start3A_209 = tpu.memref_squeeze %dma_start3A_208 : memref<1x1x40xi32, #tpu.memory_space<vmem>> -> memref<40xi32, #tpu.memory_space<vmem>>
      %dma_start3A_210 = arith.constant 0 : i32
      %dma_start3A_211 = arith.constant 0 : i32
      %dma_start3A_212 = tpu.memref_slice %arg13[%dma_start3A_210, %dma_start3A_211] : memref<10048x16xf32, #tpu.memory_space<vmem_shared>> -> memref<10048x16xf32, #tpu.memory_space<vmem_shared>>
      tpu.enqueue_indirect_dma source(%arg11 : memref<40x16xf32, #tpu.memory_space<vmem>>) target(%dma_start3A_212 : memref<10048x16xf32, #tpu.memory_space<vmem_shared>>) offsets(%dma_start3A_209 : memref<40xi32, #tpu.memory_space<vmem>>) semaphore(%arg20 : memref<!tpu.dma_semaphore, #tpu.memory_space<semaphore_mem>>) {add = true}
      %dma_wait3A_213 = arith.constant 0 : i32
      %dma_wait3A_214 = arith.constant 0 : i32
      %dma_wait3A_215 = tpu.memref_slice %arg6[%add3A_137, %dma_wait3A_213, %dma_wait3A_214] : memref<250x1x40xi32, #tpu.memory_space<vmem>> -> memref<1x1x40xi32, #tpu.memory_space<vmem>>
      %dma_wait3A_216 = tpu.memref_squeeze %dma_wait3A_215 : memref<1x1x40xi32, #tpu.memory_space<vmem>> -> memref<40xi32, #tpu.memory_space<vmem>>
      %dma_wait3A_217 = arith.constant 0 : i32
      %dma_wait3A_218 = arith.constant 0 : i32
      %dma_wait3A_219 = tpu.memref_slice %arg12[%dma_wait3A_217, %dma_wait3A_218] : memref<10000x128xf32, #tpu.memory_space<vmem_shared>> -> memref<10000x128xf32, #tpu.memory_space<vmem_shared>>
      tpu.wait_indirect_dma semaphore(%arg17 : memref<!tpu.dma_semaphore, #tpu.memory_space<semaphore_mem>>) src(%arg8 : memref<40x128xf32, #tpu.memory_space<vmem>>) dst(%dma_wait3A_219 : memref<10000x128xf32, #tpu.memory_space<vmem_shared>>)
      %add3A_220 = arith.constant 3 : i32
      %add3A_221 = arith.addi %add3A_137, %add3A_220 : i32
      %dma_start3A_222 = arith.constant 0 : i32
      %dma_start3A_223 = arith.constant 0 : i32
      %dma_start3A_224 = tpu.memref_slice %arg7[%add3A_221, %dma_start3A_222, %dma_start3A_223] : memref<250x1x40xi32, #tpu.memory_space<vmem>> -> memref<1x1x40xi32, #tpu.memory_space<vmem>>
      %dma_start3A_225 = tpu.memref_squeeze %dma_start3A_224 : memref<1x1x40xi32, #tpu.memory_space<vmem>> -> memref<40xi32, #tpu.memory_space<vmem>>
      %dma_start3A_226 = arith.constant 0 : i32
      %dma_start3A_227 = arith.constant 0 : i32
      %dma_start3A_228 = tpu.memref_slice %arg2[%dma_start3A_226, %dma_start3A_227] : memref<10000x128xf32, #tpu.memory_space<hbm>> -> memref<10000x128xf32, #tpu.memory_space<hbm>>
      tpu.enqueue_indirect_dma source(%dma_start3A_228 : memref<10000x128xf32, #tpu.memory_space<hbm>>) target(%arg8 : memref<40x128xf32, #tpu.memory_space<vmem>>) offsets(%dma_start3A_225 : memref<40xi32, #tpu.memory_space<vmem>>) semaphore(%arg14 : memref<!tpu.dma_semaphore, #tpu.memory_space<semaphore_mem>>)
      %dma_wait3A_229 = arith.constant 0 : i32
      %dma_wait3A_230 = arith.constant 0 : i32
      %dma_wait3A_231 = tpu.memref_slice %arg6[%add3A_162, %dma_wait3A_229, %dma_wait3A_230] : memref<250x1x40xi32, #tpu.memory_space<vmem>> -> memref<1x1x40xi32, #tpu.memory_space<vmem>>
      %dma_wait3A_232 = tpu.memref_squeeze %dma_wait3A_231 : memref<1x1x40xi32, #tpu.memory_space<vmem>> -> memref<40xi32, #tpu.memory_space<vmem>>
      %dma_wait3A_233 = arith.constant 0 : i32
      %dma_wait3A_234 = arith.constant 0 : i32
      %dma_wait3A_235 = tpu.memref_slice %arg12[%dma_wait3A_233, %dma_wait3A_234] : memref<10000x128xf32, #tpu.memory_space<vmem_shared>> -> memref<10000x128xf32, #tpu.memory_space<vmem_shared>>
      tpu.wait_indirect_dma semaphore(%arg18 : memref<!tpu.dma_semaphore, #tpu.memory_space<semaphore_mem>>) src(%arg9 : memref<40x128xf32, #tpu.memory_space<vmem>>) dst(%dma_wait3A_235 : memref<10000x128xf32, #tpu.memory_space<vmem_shared>>)
      %add3A_236 = arith.constant 4 : i32
      %add3A_237 = arith.addi %add3A_137, %add3A_236 : i32
      %min3A = arith.constant 249 : i32
      %min3A_238 = arith.minsi %add3A_237, %min3A : i32
      %dma_start3A_239 = arith.constant 0 : i32
      %dma_start3A_240 = arith.constant 0 : i32
      %dma_start3A_241 = tpu.memref_slice %arg7[%min3A_238, %dma_start3A_239, %dma_start3A_240] : memref<250x1x40xi32, #tpu.memory_space<vmem>> -> memref<1x1x40xi32, #tpu.memory_space<vmem>>
      %dma_start3A_242 = tpu.memref_squeeze %dma_start3A_241 : memref<1x1x40xi32, #tpu.memory_space<vmem>> -> memref<40xi32, #tpu.memory_space<vmem>>
      %dma_start3A_243 = arith.constant 0 : i32
      %dma_start3A_244 = arith.constant 0 : i32
      %dma_start3A_245 = tpu.memref_slice %arg2[%dma_start3A_243, %dma_start3A_244] : memref<10000x128xf32, #tpu.memory_space<hbm>> -> memref<10000x128xf32, #tpu.memory_space<hbm>>
      tpu.enqueue_indirect_dma source(%dma_start3A_245 : memref<10000x128xf32, #tpu.memory_space<hbm>>) target(%arg9 : memref<40x128xf32, #tpu.memory_space<vmem>>) offsets(%dma_start3A_242 : memref<40xi32, #tpu.memory_space<vmem>>) semaphore(%arg15 : memref<!tpu.dma_semaphore, #tpu.memory_space<semaphore_mem>>)
      %dma_wait3A_246 = arith.constant 0 : i32
      %dma_wait3A_247 = arith.constant 0 : i32
      %dma_wait3A_248 = tpu.memref_slice %arg6[%add3A_180, %dma_wait3A_246, %dma_wait3A_247] : memref<250x1x40xi32, #tpu.memory_space<vmem>> -> memref<1x1x40xi32, #tpu.memory_space<vmem>>
      %dma_wait3A_249 = tpu.memref_squeeze %dma_wait3A_248 : memref<1x1x40xi32, #tpu.memory_space<vmem>> -> memref<40xi32, #tpu.memory_space<vmem>>
      %dma_wait3A_250 = arith.constant 0 : i32
      %dma_wait3A_251 = arith.constant 0 : i32
      %dma_wait3A_252 = tpu.memref_slice %arg12[%dma_wait3A_250, %dma_wait3A_251] : memref<10000x128xf32, #tpu.memory_space<vmem_shared>> -> memref<10000x128xf32, #tpu.memory_space<vmem_shared>>
      tpu.wait_indirect_dma semaphore(%arg19 : memref<!tpu.dma_semaphore, #tpu.memory_space<semaphore_mem>>) src(%arg10 : memref<40x128xf32, #tpu.memory_space<vmem>>) dst(%dma_wait3A_252 : memref<10000x128xf32, #tpu.memory_space<vmem_shared>>)
      %add3A_253 = arith.constant 5 : i32
      %add3A_254 = arith.addi %add3A_137, %add3A_253 : i32
      %min3A_255 = arith.constant 249 : i32
      %min3A_256 = arith.minsi %add3A_254, %min3A_255 : i32
      %dma_start3A_257 = arith.constant 0 : i32
      %dma_start3A_258 = arith.constant 0 : i32
      %dma_start3A_259 = tpu.memref_slice %arg7[%min3A_256, %dma_start3A_257, %dma_start3A_258] : memref<250x1x40xi32, #tpu.memory_space<vmem>> -> memref<1x1x40xi32, #tpu.memory_space<vmem>>
      %dma_start3A_260 = tpu.memref_squeeze %dma_start3A_259 : memref<1x1x40xi32, #tpu.memory_space<vmem>> -> memref<40xi32, #tpu.memory_space<vmem>>
      %dma_start3A_261 = arith.constant 0 : i32
      %dma_start3A_262 = arith.constant 0 : i32
      %dma_start3A_263 = tpu.memref_slice %arg2[%dma_start3A_261, %dma_start3A_262] : memref<10000x128xf32, #tpu.memory_space<hbm>> -> memref<10000x128xf32, #tpu.memory_space<hbm>>
      tpu.enqueue_indirect_dma source(%dma_start3A_263 : memref<10000x128xf32, #tpu.memory_space<hbm>>) target(%arg10 : memref<40x128xf32, #tpu.memory_space<vmem>>) offsets(%dma_start3A_260 : memref<40xi32, #tpu.memory_space<vmem>>) semaphore(%arg16 : memref<!tpu.dma_semaphore, #tpu.memory_space<semaphore_mem>>)
      %dma_wait3A_264 = arith.constant 0 : i32
      %dma_wait3A_265 = arith.constant 0 : i32
      %dma_wait3A_266 = tpu.memref_slice %arg6[%add3A_137, %dma_wait3A_264, %dma_wait3A_265] : memref<250x1x40xi32, #tpu.memory_space<vmem>> -> memref<1x1x40xi32, #tpu.memory_space<vmem>>
      %dma_wait3A_267 = tpu.memref_squeeze %dma_wait3A_266 : memref<1x1x40xi32, #tpu.memory_space<vmem>> -> memref<40xi32, #tpu.memory_space<vmem>>
      %dma_wait3A_268 = arith.constant 0 : i32
      %dma_wait3A_269 = arith.constant 0 : i32
      %dma_wait3A_270 = tpu.memref_slice %arg13[%dma_wait3A_268, %dma_wait3A_269] : memref<10048x16xf32, #tpu.memory_space<vmem_shared>> -> memref<10048x16xf32, #tpu.memory_space<vmem_shared>>
      tpu.wait_indirect_dma semaphore(%arg20 : memref<!tpu.dma_semaphore, #tpu.memory_space<semaphore_mem>>) src(%arg11 : memref<40x16xf32, #tpu.memory_space<vmem>>) dst(%dma_wait3A_270 : memref<10048x16xf32, #tpu.memory_space<vmem_shared>>)
      %dma_wait3A_271 = arith.constant 0 : i32
      %dma_wait3A_272 = arith.constant 0 : i32
      %dma_wait3A_273 = tpu.memref_slice %arg6[%add3A_196, %dma_wait3A_271, %dma_wait3A_272] : memref<250x1x40xi32, #tpu.memory_space<vmem>> -> memref<1x1x40xi32, #tpu.memory_space<vmem>>
      %dma_wait3A_274 = tpu.memref_squeeze %dma_wait3A_273 : memref<1x1x40xi32, #tpu.memory_space<vmem>> -> memref<40xi32, #tpu.memory_space<vmem>>
      %dma_wait3A_275 = arith.constant 0 : i32
      %dma_wait3A_276 = arith.constant 0 : i32
      %dma_wait3A_277 = tpu.memref_slice %arg13[%dma_wait3A_275, %dma_wait3A_276] : memref<10048x16xf32, #tpu.memory_space<vmem_shared>> -> memref<10048x16xf32, #tpu.memory_space<vmem_shared>>
      tpu.wait_indirect_dma semaphore(%arg20 : memref<!tpu.dma_semaphore, #tpu.memory_space<semaphore_mem>>) src(%arg11 : memref<40x16xf32, #tpu.memory_space<vmem>>) dst(%dma_wait3A_277 : memref<10048x16xf32, #tpu.memory_space<vmem_shared>>)
      %dma_wait3A_278 = arith.constant 0 : i32
      %dma_wait3A_279 = arith.constant 0 : i32
      %dma_wait3A_280 = tpu.memref_slice %arg6[%add3A_205, %dma_wait3A_278, %dma_wait3A_279] : memref<250x1x40xi32, #tpu.memory_space<vmem>> -> memref<1x1x40xi32, #tpu.memory_space<vmem>>
      %dma_wait3A_281 = tpu.memref_squeeze %dma_wait3A_280 : memref<1x1x40xi32, #tpu.memory_space<vmem>> -> memref<40xi32, #tpu.memory_space<vmem>>
      %dma_wait3A_282 = arith.constant 0 : i32
      %dma_wait3A_283 = arith.constant 0 : i32
      %dma_wait3A_284 = tpu.memref_slice %arg13[%dma_wait3A_282, %dma_wait3A_283] : memref<10048x16xf32, #tpu.memory_space<vmem_shared>> -> memref<10048x16xf32, #tpu.memory_space<vmem_shared>>
      tpu.wait_indirect_dma semaphore(%arg20 : memref<!tpu.dma_semaphore, #tpu.memory_space<semaphore_mem>>) src(%arg11 : memref<40x16xf32, #tpu.memory_space<vmem>>) dst(%dma_wait3A_284 : memref<10048x16xf32, #tpu.memory_space<vmem_shared>>)
    }
    %scan3A_104 = arith.constant 83 : i32
    %dma_wait3A_105 = arith.constant 249 : i32
    %dma_wait3A_106 = arith.constant 0 : i32
    %dma_wait3A_107 = arith.constant 0 : i32
    %dma_wait3A_108 = tpu.memref_slice %arg7[%dma_wait3A_105, %dma_wait3A_106, %dma_wait3A_107] : memref<250x1x40xi32, #tpu.memory_space<vmem>> -> memref<1x1x40xi32, #tpu.memory_space<vmem>>
    %dma_wait3A_109 = tpu.memref_squeeze %dma_wait3A_108 : memref<1x1x40xi32, #tpu.memory_space<vmem>> -> memref<40xi32, #tpu.memory_space<vmem>>
    %dma_wait3A_110 = arith.constant 0 : i32
    %dma_wait3A_111 = arith.constant 0 : i32
    %dma_wait3A_112 = tpu.memref_slice %arg2[%dma_wait3A_110, %dma_wait3A_111] : memref<10000x128xf32, #tpu.memory_space<hbm>> -> memref<10000x128xf32, #tpu.memory_space<hbm>>
    tpu.wait_indirect_dma semaphore(%arg14 : memref<!tpu.dma_semaphore, #tpu.memory_space<semaphore_mem>>) src(%dma_wait3A_112 : memref<10000x128xf32, #tpu.memory_space<hbm>>) dst(%arg8 : memref<40x128xf32, #tpu.memory_space<vmem>>)
    %run_scoped3A = arith.constant 249 : i32
    %run_scoped3A_113 = arith.constant 0 : i32
    "tpu.region"() ({
      %run_scoped3A_133 = tpu.sem_alloc : memref<!tpu.dma_semaphore, #tpu.memory_space<semaphore_mem>>
      %dma_start3A_134 = arith.constant 0 : i32
      %dma_start3A_135 = tpu.memref_slice %arg6[%run_scoped3A, %run_scoped3A_113, %dma_start3A_134] : memref<250x1x40xi32, #tpu.memory_space<vmem>> -> memref<1x1x40xi32, #tpu.memory_space<vmem>>
      %dma_start3A_136 = tpu.memref_squeeze %dma_start3A_135 : memref<1x1x40xi32, #tpu.memory_space<vmem>> -> memref<40xi32, #tpu.memory_space<vmem>>
      %dma_start3A_137 = arith.constant 0 : i32
      %dma_start3A_138 = arith.constant 0 : i32
      %dma_start3A_139 = tpu.memref_slice %arg12[%dma_start3A_137, %dma_start3A_138] : memref<10000x128xf32, #tpu.memory_space<vmem_shared>> -> memref<10000x128xf32, #tpu.memory_space<vmem_shared>>
      tpu.enqueue_indirect_dma source(%arg8 : memref<40x128xf32, #tpu.memory_space<vmem>>) target(%dma_start3A_139 : memref<10000x128xf32, #tpu.memory_space<vmem_shared>>) offsets(%dma_start3A_136 : memref<40xi32, #tpu.memory_space<vmem>>) semaphore(%run_scoped3A_133 : memref<!tpu.dma_semaphore, #tpu.memory_space<semaphore_mem>>) {add = true}
      %dma_wait3A_140 = arith.constant 0 : i32
      %dma_wait3A_141 = tpu.memref_slice %arg6[%run_scoped3A, %run_scoped3A_113, %dma_wait3A_140] : memref<250x1x40xi32, #tpu.memory_space<vmem>> -> memref<1x1x40xi32, #tpu.memory_space<vmem>>
      %dma_wait3A_142 = tpu.memref_squeeze %dma_wait3A_141 : memref<1x1x40xi32, #tpu.memory_space<vmem>> -> memref<40xi32, #tpu.memory_space<vmem>>
      %dma_wait3A_143 = arith.constant 0 : i32
      %dma_wait3A_144 = arith.constant 0 : i32
      %dma_wait3A_145 = tpu.memref_slice %arg12[%dma_wait3A_143, %dma_wait3A_144] : memref<10000x128xf32, #tpu.memory_space<vmem_shared>> -> memref<10000x128xf32, #tpu.memory_space<vmem_shared>>
      tpu.wait_indirect_dma semaphore(%run_scoped3A_133 : memref<!tpu.dma_semaphore, #tpu.memory_space<semaphore_mem>>) src(%arg8 : memref<40x128xf32, #tpu.memory_space<vmem>>) dst(%dma_wait3A_145 : memref<10000x128xf32, #tpu.memory_space<vmem_shared>>)
      tpu.yield
    }) : () -> ()
    %run_scoped3A_114 = arith.constant 249 : i32
    %run_scoped3A_115 = arith.constant 0 : i32
    "tpu.region"() ({
      %run_scoped3A_133 = tpu.sem_alloc : memref<!tpu.dma_semaphore, #tpu.memory_space<semaphore_mem>>
      %dma_start3A_134 = arith.constant 0 : i32
      %dma_start3A_135 = tpu.memref_slice %arg6[%run_scoped3A_114, %run_scoped3A_115, %dma_start3A_134] : memref<250x1x40xi32, #tpu.memory_space<vmem>> -> memref<1x1x40xi32, #tpu.memory_space<vmem>>
      %dma_start3A_136 = tpu.memref_squeeze %dma_start3A_135 : memref<1x1x40xi32, #tpu.memory_space<vmem>> -> memref<40xi32, #tpu.memory_space<vmem>>
      %dma_start3A_137 = arith.constant 0 : i32
      %dma_start3A_138 = arith.constant 0 : i32
      %dma_start3A_139 = tpu.memref_slice %arg13[%dma_start3A_137, %dma_start3A_138] : memref<10048x16xf32, #tpu.memory_space<vmem_shared>> -> memref<10048x16xf32, #tpu.memory_space<vmem_shared>>
      tpu.enqueue_indirect_dma source(%arg11 : memref<40x16xf32, #tpu.memory_space<vmem>>) target(%dma_start3A_139 : memref<10048x16xf32, #tpu.memory_space<vmem_shared>>) offsets(%dma_start3A_136 : memref<40xi32, #tpu.memory_space<vmem>>) semaphore(%run_scoped3A_133 : memref<!tpu.dma_semaphore, #tpu.memory_space<semaphore_mem>>) {add = true}
      %dma_wait3A_140 = arith.constant 0 : i32
      %dma_wait3A_141 = tpu.memref_slice %arg6[%run_scoped3A_114, %run_scoped3A_115, %dma_wait3A_140] : memref<250x1x40xi32, #tpu.memory_space<vmem>> -> memref<1x1x40xi32, #tpu.memory_space<vmem>>
      %dma_wait3A_142 = tpu.memref_squeeze %dma_wait3A_141 : memref<1x1x40xi32, #tpu.memory_space<vmem>> -> memref<40xi32, #tpu.memory_space<vmem>>
      %dma_wait3A_143 = arith.constant 0 : i32
      %dma_wait3A_144 = arith.constant 0 : i32
      %dma_wait3A_145 = tpu.memref_slice %arg13[%dma_wait3A_143, %dma_wait3A_144] : memref<10048x16xf32, #tpu.memory_space<vmem_shared>> -> memref<10048x16xf32, #tpu.memory_space<vmem_shared>>
      tpu.wait_indirect_dma semaphore(%run_scoped3A_133 : memref<!tpu.dma_semaphore, #tpu.memory_space<semaphore_mem>>) src(%arg11 : memref<40x16xf32, #tpu.memory_space<vmem>>) dst(%dma_wait3A_145 : memref<10048x16xf32, #tpu.memory_space<vmem_shared>>)
      tpu.yield
    }) : () -> ()
    %dma_wait3A_116 = arith.constant 249 : i32
    %dma_wait3A_117 = arith.constant 0 : i32
    %dma_wait3A_118 = arith.constant 0 : i32
    %dma_wait3A_119 = tpu.memref_slice %arg7[%dma_wait3A_116, %dma_wait3A_117, %dma_wait3A_118] : memref<250x1x40xi32, #tpu.memory_space<vmem>> -> memref<1x1x40xi32, #tpu.memory_space<vmem>>
    %dma_wait3A_120 = tpu.memref_squeeze %dma_wait3A_119 : memref<1x1x40xi32, #tpu.memory_space<vmem>> -> memref<40xi32, #tpu.memory_space<vmem>>
    %dma_wait3A_121 = arith.constant 0 : i32
    %dma_wait3A_122 = arith.constant 0 : i32
    %dma_wait3A_123 = tpu.memref_slice %arg2[%dma_wait3A_121, %dma_wait3A_122] : memref<10000x128xf32, #tpu.memory_space<hbm>> -> memref<10000x128xf32, #tpu.memory_space<hbm>>
    tpu.wait_indirect_dma semaphore(%arg15 : memref<!tpu.dma_semaphore, #tpu.memory_space<semaphore_mem>>) src(%dma_wait3A_123 : memref<10000x128xf32, #tpu.memory_space<hbm>>) dst(%arg9 : memref<40x128xf32, #tpu.memory_space<vmem>>)
    %dma_wait3A_124 = arith.constant 249 : i32
    %dma_wait3A_125 = arith.constant 0 : i32
    %dma_wait3A_126 = arith.constant 0 : i32
    %dma_wait3A_127 = tpu.memref_slice %arg7[%dma_wait3A_124, %dma_wait3A_125, %dma_wait3A_126] : memref<250x1x40xi32, #tpu.memory_space<vmem>> -> memref<1x1x40xi32, #tpu.memory_space<vmem>>
    %dma_wait3A_128 = tpu.memref_squeeze %dma_wait3A_127 : memref<1x1x40xi32, #tpu.memory_space<vmem>> -> memref<40xi32, #tpu.memory_space<vmem>>
    %dma_wait3A_129 = arith.constant 0 : i32
    %dma_wait3A_130 = arith.constant 0 : i32
    %dma_wait3A_131 = tpu.memref_slice %arg2[%dma_wait3A_129, %dma_wait3A_130] : memref<10000x128xf32, #tpu.memory_space<hbm>> -> memref<10000x128xf32, #tpu.memory_space<hbm>>
    tpu.wait_indirect_dma semaphore(%arg16 : memref<!tpu.dma_semaphore, #tpu.memory_space<semaphore_mem>>) src(%dma_wait3A_131 : memref<10000x128xf32, #tpu.memory_space<hbm>>) dst(%arg10 : memref<40x128xf32, #tpu.memory_space<vmem>>)
    %barrier3A_132 = arith.constant 0 : index
    tpu.barrier barrier_id(%barrier3A_132)
    "tpu.region"() ({
      %run_scoped3A_133 = tpu.sem_alloc : memref<!tpu.dma_semaphore, #tpu.memory_space<semaphore_mem>>
      %dma_start3A_134 = arith.constant 0 : i32
      %dma_start3A_135 = tpu.memref_slice %arg4[%arg0, %mul3A_2, %dma_start3A_134] : memref<2x10000x128xf32, #tpu.memory_space<hbm>> -> memref<1x625x128xf32, #tpu.memory_space<hbm>>
      %dma_start3A_136 = tpu.memref_squeeze %dma_start3A_135 : memref<1x625x128xf32, #tpu.memory_space<hbm>> -> memref<625x128xf32, #tpu.memory_space<hbm>>
      %dma_start3A_137 = arith.constant 0 : i32
      %dma_start3A_138 = tpu.memref_slice %arg12[%mul3A_2, %dma_start3A_137] : memref<10000x128xf32, #tpu.memory_space<vmem_shared>> -> memref<625x128xf32, #tpu.memory_space<vmem_shared>>
      tpu.enqueue_dma source(%dma_start3A_138 : memref<625x128xf32, #tpu.memory_space<vmem_shared>>) target(%dma_start3A_136 : memref<625x128xf32, #tpu.memory_space<hbm>>) target_semaphore(%run_scoped3A_133 : memref<!tpu.dma_semaphore, #tpu.memory_space<semaphore_mem>>)
      %dma_wait3A_139 = arith.constant 0 : i32
      %dma_wait3A_140 = tpu.memref_slice %arg4[%arg0, %mul3A_2, %dma_wait3A_139] : memref<2x10000x128xf32, #tpu.memory_space<hbm>> -> memref<1x625x128xf32, #tpu.memory_space<hbm>>
      %dma_wait3A_141 = tpu.memref_squeeze %dma_wait3A_140 : memref<1x625x128xf32, #tpu.memory_space<hbm>> -> memref<625x128xf32, #tpu.memory_space<hbm>>
      %dma_wait3A_142 = arith.constant 0 : i32
      %dma_wait3A_143 = tpu.memref_slice %arg12[%mul3A_2, %dma_wait3A_142] : memref<10000x128xf32, #tpu.memory_space<vmem_shared>> -> memref<625x128xf32, #tpu.memory_space<vmem_shared>>
      tpu.wait_dma2 semaphore(%run_scoped3A_133 : memref<!tpu.dma_semaphore, #tpu.memory_space<semaphore_mem>>) src(%dma_wait3A_143 : memref<625x128xf32, #tpu.memory_space<vmem_shared>>) dst(%dma_wait3A_141 : memref<625x128xf32, #tpu.memory_space<hbm>>)
      tpu.yield
    }) : () -> ()
    "tpu.region"() ({
      %run_scoped3A_133 = tpu.sem_alloc : memref<!tpu.dma_semaphore, #tpu.memory_space<semaphore_mem>>
      %dma_start3A_134 = arith.constant 0 : i32
      %dma_start3A_135 = tpu.memref_slice %arg5[%arg0, %mul3A_4, %dma_start3A_134] : memref<2x10048x16xf32, #tpu.memory_space<hbm>> -> memref<1x628x16xf32, #tpu.memory_space<hbm>>
      %dma_start3A_136 = tpu.memref_squeeze %dma_start3A_135 : memref<1x628x16xf32, #tpu.memory_space<hbm>> -> memref<628x16xf32, #tpu.memory_space<hbm>>
      %dma_start3A_137 = arith.constant 0 : i32
      %dma_start3A_138 = tpu.memref_slice %arg13[%mul3A_4, %dma_start3A_137] : memref<10048x16xf32, #tpu.memory_space<vmem_shared>> -> memref<628x16xf32, #tpu.memory_space<vmem_shared>>
      tpu.enqueue_dma source(%dma_start3A_138 : memref<628x16xf32, #tpu.memory_space<vmem_shared>>) target(%dma_start3A_136 : memref<628x16xf32, #tpu.memory_space<hbm>>) target_semaphore(%run_scoped3A_133 : memref<!tpu.dma_semaphore, #tpu.memory_space<semaphore_mem>>)
      %dma_wait3A_139 = arith.constant 0 : i32
      %dma_wait3A_140 = tpu.memref_slice %arg5[%arg0, %mul3A_4, %dma_wait3A_139] : memref<2x10048x16xf32, #tpu.memory_space<hbm>> -> memref<1x628x16xf32, #tpu.memory_space<hbm>>
      %dma_wait3A_141 = tpu.memref_squeeze %dma_wait3A_140 : memref<1x628x16xf32, #tpu.memory_space<hbm>> -> memref<628x16xf32, #tpu.memory_space<hbm>>
      %dma_wait3A_142 = arith.constant 0 : i32
      %dma_wait3A_143 = tpu.memref_slice %arg13[%mul3A_4, %dma_wait3A_142] : memref<10048x16xf32, #tpu.memory_space<vmem_shared>> -> memref<628x16xf32, #tpu.memory_space<vmem_shared>>
      tpu.wait_dma2 semaphore(%run_scoped3A_133 : memref<!tpu.dma_semaphore, #tpu.memory_space<semaphore_mem>>) src(%dma_wait3A_143 : memref<628x16xf32, #tpu.memory_space<vmem_shared>>) dst(%dma_wait3A_141 : memref<628x16xf32, #tpu.memory_space<hbm>>)
      tpu.yield
    }) : () -> ()
    return
  }
}

module attributes {stable_mosaic.version = 14 : i64} {
  func.func @body(%arg0: i32, %arg1: memref<2x2000x128xf32, #tpu.memory_space<vmem>>, %arg2: memref<2000x1xf32, #tpu.memory_space<vmem>>, %arg3: memref<2000x128xf32, #tpu.memory_space<vmem>>, %arg4: memref<128x128xf32, #tpu.memory_space<vmem>>, %arg5: memref<128x128xf32, #tpu.memory_space<vmem>>, %arg6: memref<1x128xf32, #tpu.memory_space<vmem>>, %arg7: memref<2000x128xf32, #tpu.memory_space<vmem>>) attributes {dimension_semantics = [#tpu.dimension_semantics<arbitrary>], iteration_bounds = array<i64: 5>, scalar_prefetch = 0 : i64, scratch_operands = 0 : i64, tpu.core_type = #tpu.core_type<tc>, window_params = [{transform_indices = @transform_0, window_bounds = array<i64: 2, 2000, 128>}, {transform_indices = @transform_1, window_bounds = array<i64: 2000, 1>}, {transform_indices = @transform_2, window_bounds = array<i64: 2000, 128>}, {pipeline_mode = #tpu.pipeline_mode<synchronous>, transform_indices = @transform_3, window_bounds = array<i64: 128, 128>}, {pipeline_mode = #tpu.pipeline_mode<synchronous>, transform_indices = @transform_4, window_bounds = array<i64: 128, 128>}, {pipeline_mode = #tpu.pipeline_mode<synchronous>, transform_indices = @transform_5, window_bounds = array<i64: 1, 128>}, {transform_indices = @transform_6, window_bounds = array<i64: 2000, 128>}]} {
    %get3A = arith.constant 0 : index
    %get3A_0 = arith.constant 0 : index
    %get3A_1 = arith.constant 0 : index
    %get3A_2 = vector.load %arg1[%get3A, %get3A_0, %get3A_1] : memref<2x2000x128xf32, #tpu.memory_space<vmem>>, vector<1x2000x128xf32>
    %get3A_3 = vector.shape_cast %get3A_2 : vector<1x2000x128xf32> to vector<2000x128xf32>
    %get3A_4 = arith.constant 1 : index
    %get3A_5 = arith.constant 0 : index
    %get3A_6 = arith.constant 0 : index
    %get3A_7 = vector.load %arg1[%get3A_4, %get3A_5, %get3A_6] : memref<2x2000x128xf32, #tpu.memory_space<vmem>>, vector<1x2000x128xf32>
    %get3A_8 = vector.shape_cast %get3A_7 : vector<1x2000x128xf32> to vector<2000x128xf32>
    %add3A = arith.addf %get3A_3, %get3A_8 : vector<2000x128xf32>
    %get3A_9 = arith.constant 0 : index
    %get3A_10 = arith.constant 0 : index
    %get3A_11 = vector.load %arg2[%get3A_9, %get3A_10] : memref<2000x1xf32, #tpu.memory_space<vmem>>, vector<2000x1xf32>
    %max3A = arith.constant 1.000000e+00 : f32
    %max3A_12 = vector.broadcast %max3A : f32 to vector<2000x1xf32>
    %max3A_13 = arith.maximumf %get3A_11, %max3A_12 : vector<2000x1xf32>
    %div3A = vector.broadcast %max3A_13 : vector<2000x1xf32> to vector<2000x128xf32>
    %div3A_14 = arith.divf %add3A, %div3A : vector<2000x128xf32>
    %get3A_15 = arith.constant 0 : index
    %get3A_16 = arith.constant 0 : index
    %get3A_17 = vector.load %arg4[%get3A_15, %get3A_16] : memref<128x128xf32, #tpu.memory_space<vmem>>, vector<128x128xf32>
    %dot_general3A = arith.constant dense<0.000000e+00> : vector<2000x128xf32>
    %dot_general3A_18 = tpu.matmul %div3A_14, %get3A_17, %dot_general3A {dimension_numbers = #tpu.dot_dimension_numbers<[1], [0], [0], [1], [0, 0, 1, 1], [], []>, transpose_lhs_hint = false} : vector<2000x128xf32>, vector<128x128xf32>, vector<2000x128xf32> -> vector<2000x128xf32>
    %get3A_19 = arith.constant 0 : index
    %get3A_20 = arith.constant 0 : index
    %get3A_21 = vector.load %arg3[%get3A_19, %get3A_20] : memref<2000x128xf32, #tpu.memory_space<vmem>>, vector<2000x128xf32>
    %get3A_22 = arith.constant 0 : index
    %get3A_23 = arith.constant 0 : index
    %get3A_24 = vector.load %arg5[%get3A_22, %get3A_23] : memref<128x128xf32, #tpu.memory_space<vmem>>, vector<128x128xf32>
    %dot_general3A_25 = arith.constant dense<0.000000e+00> : vector<2000x128xf32>
    %dot_general3A_26 = tpu.matmul %get3A_21, %get3A_24, %dot_general3A_25 {dimension_numbers = #tpu.dot_dimension_numbers<[1], [0], [0], [1], [0, 0, 1, 1], [], []>, transpose_lhs_hint = false} : vector<2000x128xf32>, vector<128x128xf32>, vector<2000x128xf32> -> vector<2000x128xf32>
    %add3A_27 = arith.addf %dot_general3A_18, %dot_general3A_26 : vector<2000x128xf32>
    %get3A_28 = arith.constant 0 : index
    %get3A_29 = arith.constant 0 : index
    %get3A_30 = vector.load %arg6[%get3A_28, %get3A_29] : memref<1x128xf32, #tpu.memory_space<vmem>>, vector<1x128xf32>
    %add3A_31 = vector.broadcast %get3A_30 : vector<1x128xf32> to vector<2000x128xf32>
    %add3A_32 = arith.addf %add3A_27, %add3A_31 : vector<2000x128xf32>
    %swap3A = arith.constant 0 : index
    %swap3A_33 = arith.constant 0 : index
    %swap3A_34 = vector.load %arg7[%swap3A, %swap3A_33] : memref<2000x128xf32, #tpu.memory_space<vmem>>, vector<2000x128xf32>
    tpu.vector_store %arg7[%swap3A, %swap3A_33], %add3A_32 {strides = array<i32>} : memref<2000x128xf32, #tpu.memory_space<vmem>>, vector<2000x128xf32>,
    return
  }
  func.func @transform_0(%arg0: i32) -> (i32, i32, i32) {
    %c0_i32 = arith.constant 0 : i32
    %c0_i32_0 = arith.constant 0 : i32
    %c0_i32_1 = arith.constant 0 : i32
    return %c0_i32, %arg0, %c0_i32_0 : i32, i32, i32
  }
  func.func @transform_1(%arg0: i32) -> (i32, i32) {
    %c0_i32 = arith.constant 0 : i32
    %c0_i32_0 = arith.constant 0 : i32
    return %arg0, %c0_i32 : i32, i32
  }
  func.func @transform_2(%arg0: i32) -> (i32, i32) {
    %c0_i32 = arith.constant 0 : i32
    %c0_i32_0 = arith.constant 0 : i32
    return %arg0, %c0_i32 : i32, i32
  }
  func.func @transform_3(%arg0: i32) -> (i32, i32) {
    %c0_i32 = arith.constant 0 : i32
    %c0_i32_0 = arith.constant 0 : i32
    %c0_i32_1 = arith.constant 0 : i32
    return %c0_i32, %c0_i32_0 : i32, i32
  }
  func.func @transform_4(%arg0: i32) -> (i32, i32) {
    %c0_i32 = arith.constant 0 : i32
    %c0_i32_0 = arith.constant 0 : i32
    %c0_i32_1 = arith.constant 0 : i32
    return %c0_i32, %c0_i32_0 : i32, i32
  }
  func.func @transform_5(%arg0: i32) -> (i32, i32) {
    %c0_i32 = arith.constant 0 : i32
    %c0_i32_0 = arith.constant 0 : i32
    %c0_i32_1 = arith.constant 0 : i32
    return %c0_i32, %c0_i32_0 : i32, i32
  }
  func.func @transform_6(%arg0: i32) -> (i32, i32) {
    %c0_i32 = arith.constant 0 : i32
    %c0_i32_0 = arith.constant 0 : i32
    return %arg0, %c0_i32 : i32, i32
  }
}

</mosaic_0001>

<sc_bundles>
// kernel: kernel.4.cloned.1.call-start
scs
__scs_entry_jumppad:
0x0: {  	(pc) =	sbr.rel $0x88, $3  }
0x1: {  	(tag) =	ssettag $0x0;
	lr =	simm.s32 $0x1  }
0x2: {  	[smem:$0x3F9C] =	sst lr;
	_ =	strace $0xD0000000  }
0x3: {  	_ = 	snop  }
0x4: {  	_ = 	snop  }
0x5: {  	_ = 	snop  }
0x6: {  	_ = 	snop  }
0x7: {  	_ = 	snop  }
__scs_overlays_trampoline_lowered:
0x8: {  	[smem:$0x3FAB] =	sst s0  }
0x9: {  	[smem:$0x3FAC] =	sst s1  }
0xa: {  	[smem:$0x3FAD] =	sst s2  }
0xb: {  	[smem:$0x3FAE] =	sst s3  }
0xc: {  	[smem:$0x3FAF] =	sst s4  }
0xd: {  	[smem:$0x3FB0] =	sst s5  }
0xe: {  	[smem:$0x3FB1] =	sst s6  }
0xf: {  	[smem:$0x3FB2] =	sst s7  }
0x10: {  	[smem:$0x3FB3] =	sst s8  }
0x11: {  	[smem:$0x3FB4] =	sst s9;
	s0 =	simm.s32 @!p0 $0x0  }
0x12: {  	s1 =	sld [smem:$0x3F9A];
	s0 =	simm.s32 @p0 $0x1  }
0x13: {  	[smem:$0x3FB5] =	sst s0;
	s0 =	simm.s32 @!p1 $0x0  }
0x14: {  	s2 =	sld [smem:$0x3F99];
	s0 =	simm.s32 @p1 $0x1  }
0x15: {  	[smem:$0x3FB6] =	sst s0;
	s0 =	simm.s32 @!p2 $0x0  }
0x16: {  	s3 =	sld [smem:$0x3FDB];
	s0 =	simm.s32 @p2 $0x1  }
0x17: {  	s4 =	simm.s32 $0x1BF5;
	[smem:$0x3FB8] =	sst s0  }
0x18: {  	s0 =	sld [smem:$0x3F9B];
	_ =	swait.ge [sflag:s4], $0x0  }
0x19: {  	s7 =	sld [smem:$0x3F9C]  }
0x1a: {  	s8 =	sadd.s32 $0xFFFFE003, lr  }
0x1b: {  	s9 =	sadd.s32 $0xFFFFFEF7, lr;
	s5 =	simm.s32 $0xFFFFFFFF;
	p2 =	slt.u32 s8, $0xFFFFF086  }
0x1c: {  	p1 =	slt.u32 s9, $0xF7A;
	s5 =	simm.s32 @!p2 $0x0  }
0x1d: {  	s5 =	simm.s32 @p1 $0x1;
	p0 =	seq.s32 s7, s2  }
0x1e: {  	s7 =	smul.u32 @!p0 $0xF7A, s2;
	p2 =	seq.s32 @!p0 s5, $0x0  }
0x1f: {  	s9 =	smul.u32 $0xF7A, s1;
	s8 =	simm.s32 @!p0 $0x1BF5;
	p2 =	por !p2, p0  }
0x20: {  	[sflag:s8] =	ssyncset.s32 @!p0 $0xFFFFF086;
	s6 =	sadd.s32 @!p0 s3, s7;
	s7 =	simm.s32 @!p0 $0x108  }
0x21: {  	s3 =	sadd.s32 s3, s9;
	s6 =	sadd.s32 @!p0 $0x88, s6;
	s7 =	simm.s32 @p2 $0x1082  }
0x22: {  	[simem:s7], [sflag:s8] =	dma.local @!p0 [hbm:s6], $0xF7A  }
0x23: {  	s9 =	sor.u32 $0xD0000000, s2;
	s6 =	simm.s32 $0x108;
	_ =	swait.ge @!p0 [sflag:s8], $0x0  }
0x24: {  	s3 =	sadd.s32 $0x88, s3;
	s6 =	simm.s32 @!p1 $0x1082;
	[sflag:s4] =	ssyncset.s32 $0xFFFFF086  }
0x25: {  	[simem:s6], [sflag:s4] =	dma.local [hbm:s3], $0xF7A  }
0x26: {  	[smem:$0x3F9C] =	sst s1;
	(tag) =	ssettag s2;
	_ =	strace s9  }
0x27: {  	s1 =	sld [smem:$0x3FAC]  }
0x28: {  	s2 =	sld [smem:$0x3FAD]  }
0x29: {  	s4 =	sld [smem:$0x3FAF]  }
0x2a: {  	p0 =	seq.s32 s5, $0x0;
	s5 =	sld [smem:$0x3FB0]  }
0x2b: {  	s6 =	sld [smem:$0x3FB1]  }
0x2c: {  	s7 =	sld [smem:$0x3FB2]  }
0x2d: {  	s3 =	simm.s32 $0x108;
	s8 =	sld [smem:$0x3FB3]  }
0x2e: {  	s3 =	simm.s32 @!p0 $0x1082;
	s9 =	sld [smem:$0x3FB4]  }
0x2f: {  	lr =	sadd.s32 s0, s3;
	s0 =	sld [smem:$0x3FAB]  }
0x30: {  	s3 =	sld [smem:$0x3FAE]  }
0x31: {  	[smem:$0x3FB7] =	sst s10  }
0x32: {  	s10 =	sld [smem:$0x3FB5];
	_ =	sdelay $0x3  }
0x33: {  	p0 =	seq.s32 s10, $0x1;
	s10 =	sld [smem:$0x3FB7];
	_ =	sdelay $0x3  }
0x34: {  	[smem:$0x3FB7] =	sst s10  }
0x35: {  	s10 =	sld [smem:$0x3FB6];
	_ =	sdelay $0x3  }
0x36: {  	p1 =	seq.s32 s10, $0x1;
	s10 =	sld [smem:$0x3FB7];
	_ =	sdelay $0x3  }
0x37: {  	[smem:$0x3FB7] =	sst s10  }
0x38: {  	s10 =	sld [smem:$0x3FB8]  }
0x39: {  	_ = 	snop;
	(pc) =	sbr.ind lr, $3  }
0x3a: {  	_ = 	snop  }
0x3b: {  	_ = 	snop  }
0x3c: {  	p2 =	seq.s32 s10, $0x1;
	s10 =	sld [smem:$0x3FB7]  }
0x3d: {  	_ =	shalt  }
0x3e: {  	_ =	shalt  }
0x3f: {  	_ =	shalt  }
0x40: {  	_ =	shalt  }
0x41: {  	_ =	shalt  }
0x42: {  	_ =	shalt  }
0x43: {  	_ =	shalt  }
0x44: {  	_ =	shalt  }
0x45: {  	_ =	shalt  }
0x46: {  	_ =	shalt  }
0x47: {  	_ =	shalt  }
0x48: {  	_ =	shalt  }
0x49: {  	_ =	shalt  }
0x4a: {  	_ =	shalt  }
0x4b: {  	_ =	shalt  }
0x4c: {  	_ =	shalt  }
0x4d: {  	_ =	shalt  }
0x4e: {  	_ =	shalt  }
0x4f: {  	_ =	shalt  }
0x50: {  	_ =	shalt  }
0x51: {  	_ =	shalt  }
0x52: {  	_ =	shalt  }
0x53: {  	_ =	shalt  }
0x54: {  	_ =	shalt  }
0x55: {  	_ =	shalt  }
0x56: {  	_ =	shalt  }
0x57: {  	_ =	shalt  }
0x58: {  	_ =	shalt  }
0x59: {  	_ =	shalt  }
0x5a: {  	_ =	shalt  }
0x5b: {  	_ =	shalt  }
0x5c: {  	_ =	shalt  }
0x5d: {  	_ =	shalt  }
0x5e: {  	_ =	shalt  }
0x5f: {  	_ =	shalt  }
0x60: {  	_ =	shalt  }
0x61: {  	_ =	shalt  }
0x62: {  	_ =	shalt  }
0x63: {  	_ =	shalt  }
0x64: {  	_ =	shalt  }
0x65: {  	_ =	shalt  }
0x66: {  	_ =	shalt  }
0x67: {  	_ =	shalt  }
0x68: {  	_ =	shalt  }
0x69: {  	_ =	shalt  }
0x6a: {  	_ =	shalt  }
0x6b: {  	_ =	shalt  }
0x6c: {  	_ =	shalt  }
0x6d: {  	_ =	shalt  }
0x6e: {  	_ =	shalt  }
0x6f: {  	_ =	shalt  }
0x70: {  	_ =	shalt  }
0x71: {  	_ =	shalt  }
0x72: {  	_ =	shalt  }
0x73: {  	_ =	shalt  }
0x74: {  	_ =	shalt  }
0x75: {  	_ =	shalt  }
0x76: {  	_ =	shalt  }
0x77: {  	_ =	shalt  }
0x78: {  	_ =	shalt  }
0x79: {  	_ =	shalt  }
0x7a: {  	_ =	shalt  }
0x7b: {  	_ =	shalt  }
0x7c: {  	_ =	shalt  }
0x7d: {  	_ =	shalt  }
0x7e: {  	_ =	shalt  }
0x7f: {  	_ =	shalt  }
0x80: {  	_ =	shalt  }
0x81: {  	_ =	shalt  }
0x82: {  	_ =	shalt  }
0x83: {  	_ =	shalt  }
0x84: {  	_ =	shalt  }
0x85: {  	_ =	shalt  }
0x86: {  	_ =	shalt  }
0x87: {  	_ =	shalt  }
.Lfunc_end0:
.L_simem_size_0:
called_computation_lowered:
.L_overlay_start_0:
0x88: {  	s2 =	sld [smem:$0x3FD9]  }
0x89: {  	s3 =	sld [smem:$0x3FFE];
	_ =	sdelay $0x1  }
0x8a: {  	s1 =	srdreg.scid  }
0x8b: {  	s0 =	sand.u32 $0x1, s1  }
0x8c: {  	s17 =	sshll.u32 s0, $0xA;
	s2 =	sadd.s32 s3, s2  }
0x8d: {  	s2 =	sadd.s32 s2, s17  }
0x8e: {  	[smem:$0x3FC3] =	sst s2  }
0x8f: {  	_ = 	snop  }
0x90: {  	s2 =	sld [smem:$0x3FC9]  }
0x91: {  	s18 =	sld [smem:$0x3FD0];
	(tm) =	ssettm $0x1  }
0x92: {  	s4 =	sld [smem:$0x3FFB];
	_ =	sdelay $0x3  }
0x93: {  	_ =	strace s4  }
0x94: {  	s4 =	sld [smem:$0x3FFC];
	_ =	sdelay $0x3  }
0x95: {  	_ =	strace s4  }
0x96: {  	s4 =	sld [smem:$0x3FFD];
	_ =	sdelay $0x3  }
0x97: {  	_ =	strace s4  }
0x98: {  	_ =	strace $0x8FFFFFFF  }
0x99: {  	s19 =	sld [smem:$0x3FDB];
	_ =	sdelay $0x1  }
0x9a: {  	s5 =	simm.s32 $_scs_section_size  }
0x9b: {  	s6 =	simm.s32 $_size__tile_overlayer_lowered;
	s7 =	simm.s32 $_tile_overlayer_lowered  }
0x9c: {  	s22 =	simm.s32 $0x1BFF;
	s21 =	sshll.u32 s7, $0x1;
	s4 =	sadd.s32 s5, s19  }
0x9d: {  	s8 =	simm.s32 $0x0;
	s20 =	sshll.u32 s6, $0x1;
	s6 =	sadd.s32 s21, s4  }
0x9e: {  	[timem:s8], [sflag:s22] =	dma.local [hbm:s6], s20  }
0x9f: {  	_ =	swait.ge [sflag:s22], s20  }
0xa0: {  	s5 =	ssub.s32 $0x0, s20;
	[sflag:s22] =	ssyncset.done $0x0  }
0xa1: {  	[sflag:s22] =	ssyncadd.s32 s5;
	_ =	sdelay $0x1  }
0xa2: {  	s23 =	simm.s32 $0x1B8B  }
0xa3: {  	_ =	swait.ge [sflag:s23], $0x1  }
0xa4: {  	[sflag:s23] =	ssyncset.done $0x0  }
0xa5: {  	s25 =	simm.s32 $0x1B8E;
	s24 =	sld [smem:$0x3FFE];
	[sflag:s23] =	ssyncadd.s32 $0xFFFFFFFF  }
0xa6: {  	s26 =	simm.s32 $execute0_lowered;
	[smem:$0x3FD2] =	sst s25  }
0xa7: {  	s6 =	sshll.u32 s26, $0x1;
	_ =	strace $0x80000046;
	[dreg:$0x1] =	wrdreg $0xFFFFFFFF  }
0xa8: {  	s28 =	simm.s32 $_size_execute0_lowered;
	s4 =	sadd.s32 s4, s6;
	[dreg:$0x0] =	wrdreg $0x0  }
0xa9: {  	s6 =	sshll.u32 s28, $0x1;
	[dreg:$0x2] =	wrdreg s4  }
0xaa: {  	[dreg:$0x3] =	wrdreg s6  }
0xab: {  	[dreg:$0x4] =	wrdreg $0xC0  }
0xac: {  	_ =	task [dreg:s8], $0x5FFFF  }
0xad: {  	[dreg:$0x1] =	wrdreg $0xFFFFFFFF  }
0xae: {  	[dreg:$0x0] =	wrdreg $0x60  }
0xaf: {  	[dreg:$0x2] =	wrdreg s2  }
0xb0: {  	[dreg:$0x3] =	wrdreg s18  }
0xb1: {  	[dreg:$0x4] =	wrdreg s24  }
0xb2: {  	[dreg:$0x5] =	wrdreg $0x8CA00  }
0xb3: {  	[dreg:$0x6] =	wrdreg $0x1C5200  }
0xb4: {  	[dreg:$0x7] =	wrdreg $0x9  }
0xb5: {  	_ =	task.clear_ibuf [dreg:s8], $0x8FFFF;
	_ =	strace $0x90000046  }
0xb6: {  	s29 =	simm.s32 $0x9;
	_ =	strace $0x80000048  }
0xb7: {  	_ =	swait.ge [sflag:s29], $0x1  }
0xb8: {  	[sflag:s29] =	ssyncadd.s32 $0xFFFFFFFF  }
0xb9: {  	_ =	strace $0x90000048  }
0xba: {  	_ =	sfence  }
0xbb: {  	s30 =	sld [smem:$0x0];
	_ =	sdelay $0x2  }
0xbc: {  	s31 =	sshll.u32 s1, $0xD;
	s1 =	sshrl.u32 s1, $0x2  }
0xbd: {  	s3 =	sand.u32 $0x4000, s31;
	s1 =	sadd.s32 s1, s30  }
0xbe: {  	s0 =	sor.u32 s3, s0;
	s1 =	sshll.u32 s1, $0x11  }
0xbf: {  	s0 =	sor.u32 s1, s0  }
0xc0: {  	s0 =	sadd.s32 $0x8F2B, s0  }
0xc1: {  	[sflag:s0] =	ssyncadd.remote.s32 $0x1  }
0xc2: {  	_ =	sfence.sel $0xFFFF  }
0xc3: {  	[dreg:$0x0] =	wrdreg $0xFFFFFFFF;
	(pc) =	sbr.abs _section_cstart, $3  }
0xc4: {  	[dreg:$0x1] =	wrdreg $0xFFFFFFFF  }
0xc5: {  	_ =	task.clear_ibuf [dreg:s8], $0x2FFFF;
	_ =	strace $0x9FFFFFFF  }
0xc6: {  	(tm) =	ssettm $0x7FFFFFFF  }
0xc7: {  	_ =	shalt  }
tec
execute0_lowered:
.L_overlay_start_1:
0x0: {  	(tag) =	ssettag $0x1  }
0x1: {  	s0 =	rddreg [dreg:$0x0]  }
0x2: {  	s1 =	rddreg [dreg:$0x1];
	s13 =	stileid.u32  }
0x3: {  	s2 =	rddreg [dreg:$0x2];
	s8 =	smul.u32 $0x13880, s13  }
0x4: {  	s5 =	srdreg.scid;
	s11 =	smul.u32 $0x2740, s13  }
0x5: {  	s3 =	rddreg [dreg:$0x3];
	s6 =	sand.u32 $0x1, s5;
	s23 =	smul.u32 $0x4E200, s13  }
0x6: {  	s4 =	rddreg [dreg:$0x4];
	s5 =	simm.s32 $0x0;
	s7 =	smul.u32 $0x138800, s6  }
0x7: {  	[smem:$0x7FF] =	sst s5;
	s9 =	smul.u32 $0x27400, s6;
	s10 =	sshll.u32 s6, $0x4  }
0x8: {  	s6 =	ssub.s32 $0x2, s6;
	_ =	strace $0x80000047;
	s10 =	sor.u32 s13, s10  }
0x9: {  	s24 =	sshrl.u32 s6, $0x1;
	s13 =	smul.u32 $0x9D00, s13;
	s26 =	sshrl.u32 s23, $0x2  }
0xa: {  	s18 =	sadd.s32 s11, s4;
	s7 =	sadd.s32 s8, s7;
	s21 =	sadd.s32 s11, s9  }
0xb: {  	s22 =	smul.u32 $0x2710, s10;
	s6 =	ssub.s32 s6, s24;
	s9 =	sshrl.u32 s18, $0x3  }
0xc: {  	s7 =	sshrl.u32 s7, $0x3;
	s13 =	sshrl.u32 s13, $0x2;
	s6 =	smax.u32 s6, $0x1  }
0xd: {  	[dreg:$0x17] =	wrdreg s9;
	s12 =	sadd.s32 s7, s2;
	s25 =	sshrl.u32 s22, $0x3  }
0xe: {  	s7 =	sshrl.u32 s21, $0x3;
	[dreg:$0xc] =	wrdreg s6;
	s1 =	sadd.s32 s1, s25  }
0xf: {  	s10 =	sadd.s32 s13, s4;
	s16 =	sadd.s32 $0xB600, s12;
	[dreg:$0x6] =	wrdreg s1  }
0x10: {  	s2 =	sadd.s32 s7, s2;
	s18 =	sadd.s32 $0x780, s10;
	[dreg:$0xa] =	wrdreg s16  }
0x11: {  	s7 =	sadd.s32 s26, s3;
	s14 =	sadd.s32 $0x9C40, s1;
	[dreg:$0x1f] =	wrdreg s18  }
0x12: {  	s15 =	sadd.s32 $0x12C00, s7;
	[dreg:$0x7] =	wrdreg s14  }
0x13: {  	s1 =	sadd.s32 $0x2580, s10;
	[dreg:$0x8] =	wrdreg s15  }
0x14: {  	s2 =	sadd.s32 $0x1800, s2;
	[dreg:$0x9] =	wrdreg s1  }
0x15: {  	s19 =	sadd.s32 $0x1400, s7;
	[dreg:$0xb] =	wrdreg s2  }
0x16: {  	s20 =	sadd.s32 $0x2800, s7;
	[dreg:$0xd] =	wrdreg s19  }
0x17: {  	s21 =	sadd.s32 $0x3C00, s7;
	[dreg:$0xe] =	wrdreg s20  }
0x18: {  	s22 =	sadd.s32 $0x5000, s7;
	[dreg:$0xf] =	wrdreg s21  }
0x19: {  	s23 =	sadd.s32 $0x6400, s7;
	[dreg:$0x10] =	wrdreg s22  }
0x1a: {  	s24 =	sadd.s32 $0x7800, s7;
	[dreg:$0x11] =	wrdreg s23  }
0x1b: {  	s25 =	sadd.s32 $0x8C00, s7;
	[dreg:$0x12] =	wrdreg s24  }
0x1c: {  	s26 =	sadd.s32 $0xA000, s7;
	[dreg:$0x13] =	wrdreg s25  }
0x1d: {  	s17 =	sadd.s32 s8, s3;
	s8 =	sadd.s32 $0xB400, s7;
	[dreg:$0x14] =	wrdreg s26  }
0x1e: {  	s11 =	sadd.s32 $0xC800, s7;
	[dreg:$0x15] =	wrdreg s8  }
0x1f: {  	s12 =	sadd.s32 $0xDC00, s7;
	[dreg:$0x18] =	wrdreg s11  }
0x20: {  	s13 =	sadd.s32 $0xF000, s7;
	[dreg:$0x19] =	wrdreg s12  }
0x21: {  	s16 =	sadd.s32 $0x280, s10;
	[dreg:$0x1a] =	wrdreg s13  }
0x22: {  	s1 =	sshrl.u32 s17, $0x3;
	[dreg:$0x1d] =	wrdreg s16  }
0x23: {  	s14 =	sadd.s32 $0x10400, s7;
	[dreg:$0x16] =	wrdreg s1  }
0x24: {  	s28 =	simm.s32 $0x7620;
	s15 =	sadd.s32 $0x11800, s7;
	[dreg:$0x1b] =	wrdreg s14  }
0x25: {  	s29 =	simm.s32 $0x1;
	s17 =	sadd.s32 $0x500, s10;
	[dreg:$0x1c] =	wrdreg s15  }
0x26: {  	s30 =	simm.s32 $0x2;
	s19 =	sadd.s32 $0xA00, s10;
	[dreg:$0x1e] =	wrdreg s17  }
0x27: {  	s31 =	simm.s32 $0x3;
	s20 =	sadd.s32 $0xC80, s10;
	[smem:$0x7F6] =	sst s19  }
0x28: {  	s9 =	simm.s32 $0x2670;
	s21 =	sadd.s32 $0xF00, s10;
	[smem:$0x7F7] =	sst s20  }
0x29: {  	s6 =	sadd.s32 $0x1E00, s10;
	s22 =	sadd.s32 $0x1180, s10;
	[smem:$0x7F8] =	sst s21  }
0x2a: {  	s18 =	sadd.s32 $0x2080, s10;
	s23 =	sadd.s32 $0x1400, s10;
	[smem:$0x7F9] =	sst s22  }
0x2b: {  	s24 =	sadd.s32 $0x1680, s10;
	s25 =	sadd.s32 $0x1900, s10;
	[smem:$0x7FA] =	sst s23  }
0x2c: {  	s26 =	sadd.s32 $0x1B80, s10;
	s2 =	simm.s32 $0x5;
	[smem:$0x7FB] =	sst s24  }
0x2d: {  	s8 =	simm.s32 $0x6;
	s11 =	simm.s32 $0x2698;
	[smem:$0x7FC] =	sst s25  }
0x2e: {  	s12 =	simm.s32 $0x26C0;
	s13 =	simm.s32 $0x4DF8;
	[smem:$0x7FD] =	sst s26  }
0x2f: {  	s19 =	sadd.s32 $0x2300, s10;
	s21 =	simm.s32 $0x4E20;
	s22 =	simm.s32 $0x8  }
0x30: {  	s23 =	simm.s32 $0x8A20;
	s24 =	simm.s32 $0x7;
	s25 =	simm.s32 $0x28  }
0x31: {  	v0 =	vimm.f32 $0.0e+00;
	v1 =	vimm.f32 $1.000000000e+00;
	s26 =	simm.s32 $0x6220;
	s1 =	simm.s32 $0x4;
	s20 =	simm.s32 $0x26E8  }
.LBB2_1:
0x32: {  	s15 =	simm.s32 $0x0  }
0x33: {  	s14 =	simm.s32 $0x4E60;
	[tilespmem:s15+$0x8A20] =	vst v0;
	s15 =	simm.s32 $0x40  }
.LBB2_2:
0x34: {  	p0 =	sne.s32 s15, $0x9C0;
	[tilespmem:s14+$0xFFFFFFC0] =	vst v0  }
0x35: {  	[tilespmem:s14+$0xFFFFFFD0] =	vst v0  }
0x36: {  	[tilespmem:s14+$0xFFFFFFE0] =	vst v0  }
0x37: {  	[tilespmem:s14+$0xFFFFFFF0] =	vst v0  }
.Ltmp0:
0x38: {  	[tilespmem:s14+$0x0] =	vst v0;
	(pc) =	sbr.rel @p0 .LBB2_2-.Ltmp0, $4  }
0x39: {  	[tilespmem:s14+$0x10] =	vst v0  }
0x3a: {  	[tilespmem:s14+$0x20] =	vst v0  }
0x3b: {  	s16 =	sshra.s32 s15, $0x2;
	[tilespmem:s14+$0x30] =	vst v0  }
0x3c: {  	s15 =	sadd.s32 $0x40, s15;
	s14 =	sadd.s32 $0x80, s14;
	[tilespmem:s16+$0x8A20] =	vst v0  }
0x3d: {  	[tilespmem:s14+$0xFFFFFFC0] =	vst v0  }
0x3e: {  	[tilespmem:s14+$0xFFFFFFD0] =	vst v0  }
0x3f: {  	[tilespmem:s14+$0xFFFFFFE0] =	vst v0  }
0x40: {  	[tilespmem:s14+$0xFFFFFFF0] =	vst v0  }
0x41: {  	[tilespmem:s14+$0x0] =	vst v0  }
0x42: {  	[tilespmem:s14+$0x10] =	vst v0  }
0x43: {  	[tilespmem:s14+$0x20] =	vst v0  }
0x44: {  	[tilespmem:s14+$0x30] =	vst v0;
	s14 =	simm.s32 $0x0;
	s15 =	rddreg [dreg:$0x6]  }
0x45: {  	[tilespmem:s14], [sflag:$0x7] =	stream.linear.gather [hbm4b:s15+s14], $0x2710, $0x38;
	[tilespmem:$0x1EC60] =	vst v63  }
0x46: {  	s17 =	rddreg [dreg:$0x7];
	s16 =	simm.s32 $0x2710  }
0x47: {  	[tilespmem:s16], [sflag:$0x7] =	stream.linear.gather [hbm4b:s17+s14], $0x2710, $0x38;
	[tilespmem:$0x1EC60] =	vst v63  }
0x48: {  	_ = 	snop  }
0x49: {  	[spmem:s7] =	stream.linear.scatter [tilespmem:s21], [sflag:$0x8], $0x1400, $0x38;
	[tilespmem:$0x1EC60] =	vst v63  }
0x4a: {  	_ =	swait.ge [sflag:s22], $0x1400  }
0x4b: {  	[sflag:s22] =	ssyncset.done $0x0  }
0x4c: {  	s15 =	rddreg [dreg:$0xd];
	[sflag:s22] =	ssyncadd.s32 $0xFFFFEC00  }
0x4d: {  	[spmem:s15] =	stream.linear.scatter [tilespmem:s21], [sflag:$0x8], $0x1400, $0x38;
	[tilespmem:$0x1EC60] =	vst v63  }
0x4e: {  	_ =	swait.ge [sflag:s22], $0x1400  }
0x4f: {  	[sflag:s22] =	ssyncset.done $0x0  }
0x50: {  	s17 =	rddreg [dreg:$0xe];
	[sflag:s22] =	ssyncadd.s32 $0xFFFFEC00  }
0x51: {  	[spmem:s17] =	stream.linear.scatter [tilespmem:s21], [sflag:$0x8], $0x1400, $0x38;
	[tilespmem:$0x1EC60] =	vst v63  }
0x52: {  	_ =	swait.ge [sflag:s22], $0x1400  }
0x53: {  	[sflag:s22] =	ssyncset.done $0x0  }
0x54: {  	s15 =	rddreg [dreg:$0xf];
	[sflag:s22] =	ssyncadd.s32 $0xFFFFEC00  }
0x55: {  	[spmem:s15] =	stream.linear.scatter [tilespmem:s21], [sflag:$0x8], $0x1400, $0x38;
	[tilespmem:$0x1EC60] =	vst v63  }
0x56: {  	_ =	swait.ge [sflag:s22], $0x1400  }
0x57: {  	[sflag:s22] =	ssyncset.done $0x0  }
0x58: {  	s17 =	rddreg [dreg:$0x10];
	[sflag:s22] =	ssyncadd.s32 $0xFFFFEC00  }
0x59: {  	[spmem:s17] =	stream.linear.scatter [tilespmem:s21], [sflag:$0x8], $0x1400, $0x38;
	[tilespmem:$0x1EC60] =	vst v63  }
0x5a: {  	_ =	swait.ge [sflag:s22], $0x1400  }
0x5b: {  	[sflag:s22] =	ssyncset.done $0x0  }
0x5c: {  	s15 =	rddreg [dreg:$0x11];
	[sflag:s22] =	ssyncadd.s32 $0xFFFFEC00  }
0x5d: {  	[spmem:s15] =	stream.linear.scatter [tilespmem:s21], [sflag:$0x8], $0x1400, $0x38;
	[tilespmem:$0x1EC60] =	vst v63  }
0x5e: {  	_ =	swait.ge [sflag:s22], $0x1400  }
0x5f: {  	[sflag:s22] =	ssyncset.done $0x0  }
0x60: {  	s17 =	rddreg [dreg:$0x12];
	[sflag:s22] =	ssyncadd.s32 $0xFFFFEC00  }
0x61: {  	[spmem:s17] =	stream.linear.scatter [tilespmem:s21], [sflag:$0x8], $0x1400, $0x38;
	[tilespmem:$0x1EC60] =	vst v63  }
0x62: {  	_ =	swait.ge [sflag:s22], $0x1400  }
0x63: {  	[sflag:s22] =	ssyncset.done $0x0  }
0x64: {  	s15 =	rddreg [dreg:$0x13];
	[sflag:s22] =	ssyncadd.s32 $0xFFFFEC00  }
0x65: {  	[spmem:s15] =	stream.linear.scatter [tilespmem:s21], [sflag:$0x8], $0x1400, $0x38;
	[tilespmem:$0x1EC60] =	vst v63  }
0x66: {  	_ =	swait.ge [sflag:s22], $0x1400  }
0x67: {  	[sflag:s22] =	ssyncset.done $0x0  }
0x68: {  	s17 =	rddreg [dreg:$0x14];
	[sflag:s22] =	ssyncadd.s32 $0xFFFFEC00  }
0x69: {  	[spmem:s17] =	stream.linear.scatter [tilespmem:s21], [sflag:$0x8], $0x1400, $0x38;
	[tilespmem:$0x1EC60] =	vst v63  }
0x6a: {  	_ =	swait.ge [sflag:s22], $0x1400  }
0x6b: {  	[sflag:s22] =	ssyncset.done $0x0  }
0x6c: {  	s15 =	rddreg [dreg:$0x15];
	[sflag:s22] =	ssyncadd.s32 $0xFFFFEC00  }
0x6d: {  	[spmem:s15] =	stream.linear.scatter [tilespmem:s21], [sflag:$0x8], $0x1400, $0x38;
	[tilespmem:$0x1EC60] =	vst v63  }
0x6e: {  	_ =	swait.ge [sflag:s22], $0x1400  }
0x6f: {  	[sflag:s22] =	ssyncset.done $0x0  }
0x70: {  	s17 =	rddreg [dreg:$0x18];
	[sflag:s22] =	ssyncadd.s32 $0xFFFFEC00  }
0x71: {  	[spmem:s17] =	stream.linear.scatter [tilespmem:s21], [sflag:$0x8], $0x1400, $0x38;
	[tilespmem:$0x1EC60] =	vst v63  }
0x72: {  	_ =	swait.ge [sflag:s22], $0x1400  }
0x73: {  	[sflag:s22] =	ssyncset.done $0x0  }
0x74: {  	s15 =	rddreg [dreg:$0x19];
	[sflag:s22] =	ssyncadd.s32 $0xFFFFEC00  }
0x75: {  	[spmem:s15] =	stream.linear.scatter [tilespmem:s21], [sflag:$0x8], $0x1400, $0x38;
	[tilespmem:$0x1EC60] =	vst v63  }
0x76: {  	_ =	swait.ge [sflag:s22], $0x1400  }
0x77: {  	[sflag:s22] =	ssyncset.done $0x0  }
0x78: {  	s17 =	rddreg [dreg:$0x1a];
	[sflag:s22] =	ssyncadd.s32 $0xFFFFEC00  }
0x79: {  	[spmem:s17] =	stream.linear.scatter [tilespmem:s21], [sflag:$0x8], $0x1400, $0x38;
	[tilespmem:$0x1EC60] =	vst v63  }
0x7a: {  	_ =	swait.ge [sflag:s22], $0x1400  }
0x7b: {  	[sflag:s22] =	ssyncset.done $0x0  }
0x7c: {  	s15 =	rddreg [dreg:$0x1b];
	[sflag:s22] =	ssyncadd.s32 $0xFFFFEC00  }
0x7d: {  	[spmem:s15] =	stream.linear.scatter [tilespmem:s21], [sflag:$0x8], $0x1400, $0x38;
	[tilespmem:$0x1EC60] =	vst v63  }
0x7e: {  	_ =	swait.ge [sflag:s22], $0x1400  }
0x7f: {  	[sflag:s22] =	ssyncset.done $0x0  }
0x80: {  	s17 =	rddreg [dreg:$0x1c];
	[sflag:s22] =	ssyncadd.s32 $0xFFFFEC00  }
0x81: {  	[spmem:s17] =	stream.linear.scatter [tilespmem:s21], [sflag:$0x8], $0x1400, $0x38;
	[tilespmem:$0x1EC60] =	vst v63  }
0x82: {  	_ =	swait.ge [sflag:s22], $0x1400  }
0x83: {  	[sflag:s22] =	ssyncset.done $0x0  }
0x84: {  	s15 =	rddreg [dreg:$0x8];
	[sflag:s22] =	ssyncadd.s32 $0xFFFFEC00  }
0x85: {  	[spmem:s15] =	stream.linear.scatter [tilespmem:s21], [sflag:$0x8], $0xC80, $0x38;
	[tilespmem:$0x1EC60] =	vst v63  }
0x86: {  	_ =	swait.ge [sflag:s22], $0xC80  }
0x87: {  	[sflag:s22] =	ssyncset.done $0x0  }
0x88: {  	[sflag:s22] =	ssyncadd.s32 $0xFFFFF380  }
0x89: {  	[spmem:s10] =	stream.linear.scatter [tilespmem:s23], [sflag:$0x8], $0x280, $0x38;
	[tilespmem:$0x1EC60] =	vst v63  }
0x8a: {  	_ =	swait.ge [sflag:s22], $0x280  }
0x8b: {  	[sflag:s22] =	ssyncset.done $0x0  }
0x8c: {  	s17 =	rddreg [dreg:$0x1d];
	[sflag:s22] =	ssyncadd.s32 $0xFFFFFD80  }
0x8d: {  	[spmem:s17] =	stream.linear.scatter [tilespmem:s23], [sflag:$0x8], $0x280, $0x38;
	[tilespmem:$0x1EC60] =	vst v63  }
0x8e: {  	_ =	swait.ge [sflag:s22], $0x280  }
0x8f: {  	[sflag:s22] =	ssyncset.done $0x0  }
0x90: {  	s15 =	rddreg [dreg:$0x1e];
	[sflag:s22] =	ssyncadd.s32 $0xFFFFFD80  }
0x91: {  	[spmem:s15] =	stream.linear.scatter [tilespmem:s23], [sflag:$0x8], $0x280, $0x38;
	[tilespmem:$0x1EC60] =	vst v63  }
0x92: {  	_ =	swait.ge [sflag:s22], $0x280  }
0x93: {  	[sflag:s22] =	ssyncset.done $0x0  }
0x94: {  	s17 =	rddreg [dreg:$0x1f];
	[sflag:s22] =	ssyncadd.s32 $0xFFFFFD80  }
0x95: {  	[spmem:s17] =	stream.linear.scatter [tilespmem:s23], [sflag:$0x8], $0x280, $0x38;
	[tilespmem:$0x1EC60] =	vst v63  }
0x96: {  	_ =	swait.ge [sflag:s22], $0x280  }
0x97: {  	s15 =	sld [smem:$0x7F6]  }
0x98: {  	[sflag:s22] =	ssyncset.done $0x0  }
0x99: {  	[sflag:s22] =	ssyncadd.s32 $0xFFFFFD80  }
0x9a: {  	[spmem:s15] =	stream.linear.scatter [tilespmem:s23], [sflag:$0x8], $0x280, $0x38;
	[tilespmem:$0x1EC60] =	vst v63  }
0x9b: {  	_ =	swait.ge [sflag:s22], $0x280  }
0x9c: {  	s17 =	sld [smem:$0x7F7]  }
0x9d: {  	[sflag:s22] =	ssyncset.done $0x0  }
0x9e: {  	[sflag:s22] =	ssyncadd.s32 $0xFFFFFD80  }
0x9f: {  	[spmem:s17] =	stream.linear.scatter [tilespmem:s23], [sflag:$0x8], $0x280, $0x38;
	[tilespmem:$0x1EC60] =	vst v63  }
0xa0: {  	_ =	swait.ge [sflag:s22], $0x280  }
0xa1: {  	s15 =	sld [smem:$0x7F8]  }
0xa2: {  	[sflag:s22] =	ssyncset.done $0x0  }
0xa3: {  	[sflag:s22] =	ssyncadd.s32 $0xFFFFFD80  }
0xa4: {  	[spmem:s15] =	stream.linear.scatter [tilespmem:s23], [sflag:$0x8], $0x280, $0x38;
	[tilespmem:$0x1EC60] =	vst v63  }
0xa5: {  	_ =	swait.ge [sflag:s22], $0x280  }
0xa6: {  	s17 =	sld [smem:$0x7F9]  }
0xa7: {  	[sflag:s22] =	ssyncset.done $0x0  }
0xa8: {  	[sflag:s22] =	ssyncadd.s32 $0xFFFFFD80  }
0xa9: {  	[spmem:s17] =	stream.linear.scatter [tilespmem:s23], [sflag:$0x8], $0x280, $0x38;
	[tilespmem:$0x1EC60] =	vst v63  }
0xaa: {  	_ =	swait.ge [sflag:s22], $0x280  }
0xab: {  	s15 =	sld [smem:$0x7FA]  }
0xac: {  	[sflag:s22] =	ssyncset.done $0x0  }
0xad: {  	[sflag:s22] =	ssyncadd.s32 $0xFFFFFD80  }
0xae: {  	[spmem:s15] =	stream.linear.scatter [tilespmem:s23], [sflag:$0x8], $0x280, $0x38;
	[tilespmem:$0x1EC60] =	vst v63  }
0xaf: {  	_ =	swait.ge [sflag:s22], $0x280  }
0xb0: {  	s17 =	sld [smem:$0x7FB]  }
0xb1: {  	[sflag:s22] =	ssyncset.done $0x0  }
0xb2: {  	[sflag:s22] =	ssyncadd.s32 $0xFFFFFD80  }
0xb3: {  	[spmem:s17] =	stream.linear.scatter [tilespmem:s23], [sflag:$0x8], $0x280, $0x38;
	[tilespmem:$0x1EC60] =	vst v63  }
0xb4: {  	_ =	swait.ge [sflag:s22], $0x280  }
0xb5: {  	s15 =	sld [smem:$0x7FC]  }
0xb6: {  	[sflag:s22] =	ssyncset.done $0x0  }
0xb7: {  	[sflag:s22] =	ssyncadd.s32 $0xFFFFFD80  }
0xb8: {  	[spmem:s15] =	stream.linear.scatter [tilespmem:s23], [sflag:$0x8], $0x280, $0x38;
	[tilespmem:$0x1EC60] =	vst v63  }
0xb9: {  	_ =	swait.ge [sflag:s22], $0x280  }
0xba: {  	s17 =	sld [smem:$0x7FD]  }
0xbb: {  	[sflag:s22] =	ssyncset.done $0x0  }
0xbc: {  	[sflag:s22] =	ssyncadd.s32 $0xFFFFFD80  }
0xbd: {  	[spmem:s17] =	stream.linear.scatter [tilespmem:s23], [sflag:$0x8], $0x280, $0x38;
	[tilespmem:$0x1EC60] =	vst v63  }
0xbe: {  	_ =	swait.ge [sflag:s22], $0x280  }
0xbf: {  	[sflag:s22] =	ssyncset.done $0x0  }
0xc0: {  	[sflag:s22] =	ssyncadd.s32 $0xFFFFFD80  }
0xc1: {  	[spmem:s6] =	stream.linear.scatter [tilespmem:s23], [sflag:$0x8], $0x280, $0x38;
	[tilespmem:$0x1EC60] =	vst v63  }
0xc2: {  	_ =	swait.ge [sflag:s22], $0x280  }
0xc3: {  	[sflag:s22] =	ssyncset.done $0x0  }
0xc4: {  	[sflag:s22] =	ssyncadd.s32 $0xFFFFFD80  }
0xc5: {  	[spmem:s18] =	stream.linear.scatter [tilespmem:s23], [sflag:$0x8], $0x280, $0x38;
	[tilespmem:$0x1EC60] =	vst v63  }
0xc6: {  	_ =	swait.ge [sflag:s22], $0x280  }
0xc7: {  	[sflag:s22] =	ssyncset.done $0x0  }
0xc8: {  	[sflag:s22] =	ssyncadd.s32 $0xFFFFFD80  }
0xc9: {  	[spmem:s19] =	stream.linear.scatter [tilespmem:s23], [sflag:$0x8], $0x280, $0x38;
	[tilespmem:$0x1EC60] =	vst v63  }
0xca: {  	_ =	swait.ge [sflag:s22], $0x280  }
0xcb: {  	[sflag:s22] =	ssyncset.done $0x0  }
0xcc: {  	s15 =	rddreg [dreg:$0x9];
	[sflag:s22] =	ssyncadd.s32 $0xFFFFFD80  }
0xcd: {  	[spmem:s15] =	stream.linear.scatter [tilespmem:s23], [sflag:$0x8], $0x1C0, $0x38;
	[tilespmem:$0x1EC60] =	vst v63  }
0xce: {  	_ =	swait.ge [sflag:s22], $0x1C0  }
0xcf: {  	[sflag:s22] =	ssyncset.done $0x0  }
0xd0: {  	[sflag:s22] =	ssyncadd.s32 $0xFFFFFE40  }
0xd1: {  	[tilespmem:$0x8A20] =	vst v1  }
0xd2: {  	[tilespmem:$0x8A30] =	vst v1  }
0xd3: {  	[tilespmem:$0x8A40] =	vst v1  }
0xd4: {  	[tilespmem:$0x8A50] =	vst v1  }
0xd5: {  	[tilespmem:$0x8A60] =	vst v1  }
0xd6: {  	[tilespmem:$0x8A70] =	vst v1  }
0xd7: {  	[tilespmem:$0x8A80] =	vst v1  }
0xd8: {  	[tilespmem:$0x8A90] =	vst v1  }
0xd9: {  	[tilespmem:$0x8AA0] =	vst v1  }
0xda: {  	[tilespmem:$0x8AB0] =	vst v1  }
0xdb: {  	[tilespmem:$0x8AC0] =	vst v1  }
0xdc: {  	[tilespmem:$0x8AD0] =	vst v1  }
0xdd: {  	[tilespmem:$0x8AE0] =	vst v1  }
0xde: {  	[tilespmem:$0x8AF0] =	vst v1  }
0xdf: {  	[tilespmem:$0x8B00] =	vst v1  }
0xe0: {  	[tilespmem:$0x8B10] =	vst v1  }
0xe1: {  	[tilespmem:$0x8B20] =	vst v1  }
0xe2: {  	[tilespmem:$0x8B30] =	vst v1  }
0xe3: {  	[tilespmem:$0x8B40] =	vst v1  }
0xe4: {  	[tilespmem:$0x8B50] =	vst v1  }
0xe5: {  	[tilespmem:$0x8B60] =	vst v1  }
0xe6: {  	[tilespmem:$0x8B70] =	vst v1  }
0xe7: {  	[tilespmem:$0x8B80] =	vst v1  }
0xe8: {  	[tilespmem:$0x8B90] =	vst v1  }
0xe9: {  	[tilespmem:$0x8BA0] =	vst v1  }
0xea: {  	[tilespmem:$0x8BB0] =	vst v1  }
0xeb: {  	[tilespmem:$0x8BC0] =	vst v1  }
0xec: {  	[tilespmem:$0x8BD0] =	vst v1  }
0xed: {  	[tilespmem:$0x8BE0] =	vst v1  }
0xee: {  	[tilespmem:$0x8BF0] =	vst v1  }
0xef: {  	[tilespmem:$0x8C00] =	vst v1  }
0xf0: {  	[tilespmem:$0x8C10] =	vst v1  }
0xf1: {  	[tilespmem:$0x8C20] =	vst v1  }
0xf2: {  	[tilespmem:$0x8C30] =	vst v1  }
0xf3: {  	[tilespmem:$0x8C40] =	vst v1  }
0xf4: {  	[tilespmem:$0x8C50] =	vst v1  }
0xf5: {  	[tilespmem:$0x8C60] =	vst v1  }
0xf6: {  	[tilespmem:$0x8C70] =	vst v1  }
0xf7: {  	[tilespmem:$0x8C80] =	vst v1  }
0xf8: {  	[tilespmem:$0x8C90] =	vst v1  }
0xf9: {  	_ =	swait.ge [sflag:s24], $0x2710  }
0xfa: {  	[sflag:s24] =	ssyncset.done $0x0  }
0xfb: {  	[sflag:s24] =	ssyncadd.s32 $0xFFFFD8F0  }
0xfc: {  	_ =	swait.ge [sflag:s24], $0x2710  }
0xfd: {  	[sflag:s24] =	ssyncset.done $0x0  }
0xfe: {  	[sflag:s24] =	ssyncadd.s32 $0xFFFFD8F0  }
0xff: {  	[bflag:$0x0] =	sbarrier.arrive $0xFFFF  }
0x100: {  	[tilespmem:s21], [sflag:$0x1] =	stream.indirect.gather [hbm4b:s0+s25], $0x80, s16, s25, $0xb8;
	[tilespmem:$0x1EC60] =	vst v63  }
0x101: {  	s16 =	simm.s32 $0x2738  }
0x102: {  	[tilespmem:s26], [sflag:$0x2] =	stream.indirect.gather [hbm4b:s0+s25], $0x80, s16, s25, $0xb8;
	[tilespmem:$0x1EC60] =	vst v63  }
0x103: {  	s17 =	simm.s32 $0x2760  }
0x104: {  	[tilespmem:s28], [sflag:$0x3] =	stream.indirect.gather [hbm4b:s0+s25], $0x80, s17, s25, $0xb8;
	[tilespmem:$0x1EC60] =	vst v63  }
0x105: {  	_ =	swait.ge [sflag:s29], $0x1400  }
0x106: {  	[sflag:s29] =	ssyncset.done $0x0  }
0x107: {  	s15 =	simm.s32 $0x0;
	[sflag:s29] =	ssyncadd.s32 $0xFFFFEC00  }
0x108: {  	[spmem:s3] =	stream.indirect.scatter.add.f32 [tilespmem:s21], [sflag:$0x4], $0x80, s15, s25, $0xb8;
	[tilespmem:$0x1EC60] =	vst v63  }
0x109: {  	_ =	swait.ge [sflag:s30], $0x1400  }
0x10a: {  	[sflag:s30] =	ssyncset.done $0x0  }
0x10b: {  	s16 =	simm.s32 $0x28;
	[sflag:s30] =	ssyncadd.s32 $0xFFFFEC00  }
0x10c: {  	[spmem:s3] =	stream.indirect.scatter.add.f32 [tilespmem:s26], [sflag:$0x5], $0x80, s16, s25, $0xb8;
	[tilespmem:$0x1EC60] =	vst v63  }
0x10d: {  	_ =	swait.ge [sflag:s31], $0x1400  }
0x10e: {  	[sflag:s31] =	ssyncset.done $0x0  }
0x10f: {  	s17 =	simm.s32 $0x50;
	[sflag:s31] =	ssyncadd.s32 $0xFFFFEC00  }
0x110: {  	[spmem:s3] =	stream.indirect.scatter.add.f32 [tilespmem:s28], [sflag:$0x6], $0x80, s17, s25, $0xb8;
	[tilespmem:$0x1EC60] =	vst v63  }
0x111: {  	_ = 	snop  }
0x112: {  	[spmem:s4] =	stream.indirect.scatter.add.f32 [tilespmem:s23], [sflag:$0x7], $0x10, s15, s25, $0xb8;
	[tilespmem:$0x1EC60] =	vst v63  }
0x113: {  	_ = 	snop  }
0x114: {  	[spmem:s4] =	stream.indirect.scatter.add.f32 [tilespmem:s23], [sflag:$0x7], $0x10, s16, s25, $0xb8;
	[tilespmem:$0x1EC60] =	vst v63  }
0x115: {  	_ = 	snop  }
0x116: {  	[spmem:s4] =	stream.indirect.scatter.add.f32 [tilespmem:s23], [sflag:$0x7], $0x10, s17, s25, $0xb8;
	[tilespmem:$0x1EC60] =	vst v63  }
0x117: {  	_ =	swait.ge [sflag:s1], $0x1400  }
0x118: {  	[sflag:s1] =	ssyncset.done $0x0  }
0x119: {  	s15 =	simm.s32 $0x2788;
	[sflag:s1] =	ssyncadd.s32 $0xFFFFEC00  }
0x11a: {  	[tilespmem:s21], [sflag:$0x1] =	stream.indirect.gather [hbm4b:s0+s25], $0x80, s15, s25, $0xb8;
	[tilespmem:$0x1EC60] =	vst v63  }
0x11b: {  	_ =	swait.ge [sflag:s2], $0x1400  }
0x11c: {  	[sflag:s2] =	ssyncset.done $0x0  }
0x11d: {  	s16 =	simm.s32 $0x27B0;
	[sflag:s2] =	ssyncadd.s32 $0xFFFFEC00  }
0x11e: {  	[tilespmem:s26], [sflag:$0x2] =	stream.indirect.gather [hbm4b:s0+s25], $0x80, s16, s25, $0xb8;
	[tilespmem:$0x1EC60] =	vst v63  }
0x11f: {  	_ =	swait.ge [sflag:s8], $0x1400  }
0x120: {  	[sflag:s8] =	ssyncset.done $0x0  }
0x121: {  	s17 =	simm.s32 $0x27D8;
	[sflag:s8] =	ssyncadd.s32 $0xFFFFEC00  }
0x122: {  	[tilespmem:s28], [sflag:$0x3] =	stream.indirect.gather [hbm4b:s0+s25], $0x80, s17, s25, $0xb8;
	[tilespmem:$0x1EC60] =	vst v63  }
0x123: {  	_ =	swait.ge [sflag:s24], $0x280  }
0x124: {  	[sflag:s24] =	ssyncset.done $0x0  }
0x125: {  	[sflag:s24] =	ssyncadd.s32 $0xFFFFFD80  }
0x126: {  	_ =	swait.ge [sflag:s24], $0x280  }
0x127: {  	[sflag:s24] =	ssyncset.done $0x0  }
0x128: {  	[sflag:s24] =	ssyncadd.s32 $0xFFFFFD80  }
0x129: {  	_ =	swait.ge [sflag:s24], $0x280  }
0x12a: {  	s14 =	simm.s32 $0x1E0;
	[sflag:s24] =	ssyncset.done $0x0  }
.LBB2_4:
0x12b: {  	p0 =	sne.s32 s14, $0x97E0  }
0x12c: {  	[sflag:s24] =	ssyncadd.s32 $0xFFFFFD80;
	s15 =	smov.u32 s14;
	s14 =	sadd.s32 $0x1E0, s14  }
0x12d: {  	_ =	swait.ge [sflag:s29], $0x1400  }
0x12e: {  	[sflag:s29] =	ssyncset.done $0x0  }
0x12f: {  	s15 =	sshra.s32 s15, $0x2;
	[sflag:s29] =	ssyncadd.s32 $0xFFFFEC00  }
0x130: {  	[spmem:s3] =	stream.indirect.scatter.add.f32 [tilespmem:s21], [sflag:$0x4], $0x80, s15, s25, $0xb8;
	[tilespmem:$0x1EC60] =	vst v63  }
0x131: {  	_ =	swait.ge [sflag:s30], $0x1400  }
0x132: {  	[sflag:s30] =	ssyncset.done $0x0  }
0x133: {  	s16 =	sadd.s32 $0x28, s15;
	[sflag:s30] =	ssyncadd.s32 $0xFFFFEC00  }
0x134: {  	[spmem:s3] =	stream.indirect.scatter.add.f32 [tilespmem:s26], [sflag:$0x5], $0x80, s16, s25, $0xb8;
	[tilespmem:$0x1EC60] =	vst v63  }
0x135: {  	_ =	swait.ge [sflag:s31], $0x1400  }
0x136: {  	[sflag:s31] =	ssyncset.done $0x0  }
0x137: {  	s17 =	sadd.s32 $0x50, s15;
	[sflag:s31] =	ssyncadd.s32 $0xFFFFEC00  }
0x138: {  	[spmem:s3] =	stream.indirect.scatter.add.f32 [tilespmem:s28], [sflag:$0x6], $0x80, s17, s25, $0xb8;
	[tilespmem:$0x1EC60] =	vst v63  }
0x139: {  	_ = 	snop  }
0x13a: {  	[spmem:s4] =	stream.indirect.scatter.add.f32 [tilespmem:s23], [sflag:$0x7], $0x10, s15, s25, $0xb8;
	[tilespmem:$0x1EC60] =	vst v63  }
0x13b: {  	_ = 	snop  }
0x13c: {  	[spmem:s4] =	stream.indirect.scatter.add.f32 [tilespmem:s23], [sflag:$0x7], $0x10, s16, s25, $0xb8;
	[tilespmem:$0x1EC60] =	vst v63  }
0x13d: {  	_ = 	snop  }
0x13e: {  	[spmem:s4] =	stream.indirect.scatter.add.f32 [tilespmem:s23], [sflag:$0x7], $0x10, s17, s25, $0xb8;
	[tilespmem:$0x1EC60] =	vst v63  }
0x13f: {  	_ =	swait.ge [sflag:s1], $0x1400  }
0x140: {  	[sflag:s1] =	ssyncset.done $0x0  }
0x141: {  	s16 =	sadd.s32 $0x2788, s15;
	[sflag:s1] =	ssyncadd.s32 $0xFFFFEC00  }
0x142: {  	[tilespmem:s21], [sflag:$0x1] =	stream.indirect.gather [hbm4b:s0+s25], $0x80, s16, s25, $0xb8;
	[tilespmem:$0x1EC60] =	vst v63  }
0x143: {  	_ =	swait.ge [sflag:s2], $0x1400  }
0x144: {  	[sflag:s2] =	ssyncset.done $0x0  }
0x145: {  	s16 =	sadd.s32 $0x27B0, s15;
	[sflag:s2] =	ssyncadd.s32 $0xFFFFEC00  }
0x146: {  	[tilespmem:s26], [sflag:$0x2] =	stream.indirect.gather [hbm4b:s0+s25], $0x80, s16, s25, $0xb8;
	[tilespmem:$0x1EC60] =	vst v63  }
0x147: {  	_ =	swait.ge [sflag:s8], $0x1400  }
0x148: {  	[sflag:s8] =	ssyncset.done $0x0  }
0x149: {  	s15 =	sadd.s32 $0x27D8, s15;
	[sflag:s8] =	ssyncadd.s32 $0xFFFFEC00  }
0x14a: {  	[tilespmem:s28], [sflag:$0x3] =	stream.indirect.gather [hbm4b:s0+s25], $0x80, s15, s25, $0xb8;
	[tilespmem:$0x1EC60] =	vst v63  }
0x14b: {  	_ =	swait.ge [sflag:s24], $0x280  }
0x14c: {  	[sflag:s24] =	ssyncset.done $0x0  }
0x14d: {  	[sflag:s24] =	ssyncadd.s32 $0xFFFFFD80  }
.Ltmp1:
0x14e: {  	_ =	swait.ge [sflag:s24], $0x280;
	(pc) =	sbr.rel @p0 .LBB2_4-.Ltmp1, $4  }
0x14f: {  	[sflag:s24] =	ssyncset.done $0x0  }
0x150: {  	[sflag:s24] =	ssyncadd.s32 $0xFFFFFD80  }
0x151: {  	_ =	swait.ge [sflag:s24], $0x280  }
0x152: {  	[sflag:s24] =	ssyncset.done $0x0  }
0x153: {  	[sflag:s24] =	ssyncadd.s32 $0xFFFFFD80  }
0x154: {  	_ =	swait.ge [sflag:s29], $0x1400  }
0x155: {  	[sflag:s29] =	ssyncset.done $0x0  }
0x156: {  	[sflag:s29] =	ssyncadd.s32 $0xFFFFEC00  }
0x157: {  	[spmem:s3] =	stream.indirect.scatter.add.f32 [tilespmem:s21], [sflag:$0x4], $0x80, s9, s25, $0xb8;
	[tilespmem:$0x1EC60] =	vst v63  }
0x158: {  	_ =	swait.ge [sflag:s30], $0x1400  }
0x159: {  	[sflag:s30] =	ssyncset.done $0x0  }
0x15a: {  	[sflag:s30] =	ssyncadd.s32 $0xFFFFEC00  }
0x15b: {  	[spmem:s3] =	stream.indirect.scatter.add.f32 [tilespmem:s26], [sflag:$0x5], $0x80, s11, s25, $0xb8;
	[tilespmem:$0x1EC60] =	vst v63  }
0x15c: {  	_ =	swait.ge [sflag:s31], $0x1400  }
0x15d: {  	[sflag:s31] =	ssyncset.done $0x0  }
0x15e: {  	[sflag:s31] =	ssyncadd.s32 $0xFFFFEC00  }
0x15f: {  	[spmem:s3] =	stream.indirect.scatter.add.f32 [tilespmem:s28], [sflag:$0x6], $0x80, s12, s25, $0xb8;
	[tilespmem:$0x1EC60] =	vst v63  }
0x160: {  	_ = 	snop  }
0x161: {  	[spmem:s4] =	stream.indirect.scatter.add.f32 [tilespmem:s23], [sflag:$0x7], $0x10, s9, s25, $0xb8;
	[tilespmem:$0x1EC60] =	vst v63  }
0x162: {  	_ = 	snop  }
0x163: {  	[spmem:s4] =	stream.indirect.scatter.add.f32 [tilespmem:s23], [sflag:$0x7], $0x10, s11, s25, $0xb8;
	[tilespmem:$0x1EC60] =	vst v63  }
0x164: {  	_ = 	snop  }
0x165: {  	[spmem:s4] =	stream.indirect.scatter.add.f32 [tilespmem:s23], [sflag:$0x7], $0x10, s12, s25, $0xb8;
	[tilespmem:$0x1EC60] =	vst v63  }
0x166: {  	_ =	swait.ge [sflag:s1], $0x1400  }
0x167: {  	[sflag:s1] =	ssyncset.done $0x0  }
0x168: {  	[sflag:s1] =	ssyncadd.s32 $0xFFFFEC00  }
0x169: {  	[tilespmem:s21], [sflag:$0x1] =	stream.indirect.gather [hbm4b:s0+s25], $0x80, s13, s25, $0xb8;
	[tilespmem:$0x1EC60] =	vst v63  }
0x16a: {  	_ =	swait.ge [sflag:s2], $0x1400  }
0x16b: {  	[sflag:s2] =	ssyncset.done $0x0  }
0x16c: {  	[sflag:s2] =	ssyncadd.s32 $0xFFFFEC00  }
0x16d: {  	[tilespmem:s26], [sflag:$0x2] =	stream.indirect.gather [hbm4b:s0+s25], $0x80, s13, s25, $0xb8;
	[tilespmem:$0x1EC60] =	vst v63  }
0x16e: {  	_ =	swait.ge [sflag:s8], $0x1400  }
0x16f: {  	[sflag:s8] =	ssyncset.done $0x0  }
0x170: {  	[sflag:s8] =	ssyncadd.s32 $0xFFFFEC00  }
0x171: {  	[tilespmem:s28], [sflag:$0x3] =	stream.indirect.gather [hbm4b:s0+s25], $0x80, s13, s25, $0xb8;
	[tilespmem:$0x1EC60] =	vst v63  }
0x172: {  	_ =	swait.ge [sflag:s24], $0x280  }
0x173: {  	[sflag:s24] =	ssyncset.done $0x0  }
0x174: {  	[sflag:s24] =	ssyncadd.s32 $0xFFFFFD80  }
0x175: {  	_ =	swait.ge [sflag:s24], $0x280  }
0x176: {  	[sflag:s24] =	ssyncset.done $0x0  }
0x177: {  	[sflag:s24] =	ssyncadd.s32 $0xFFFFFD80  }
0x178: {  	_ =	swait.ge [sflag:s24], $0x280  }
0x179: {  	[sflag:s24] =	ssyncset.done $0x0  }
0x17a: {  	[sflag:s24] =	ssyncadd.s32 $0xFFFFFD80  }
0x17b: {  	_ =	swait.ge [sflag:s29], $0x1400  }
0x17c: {  	[sflag:s29] =	ssyncset.done $0x0  }
0x17d: {  	[sflag:s29] =	ssyncadd.s32 $0xFFFFEC00  }
0x17e: {  	[spmem:s3] =	stream.indirect.scatter.add.f32 [tilespmem:s21], [sflag:$0x8], $0x80, s20, s25, $0xb8;
	[tilespmem:$0x1EC60] =	vst v63  }
0x17f: {  	_ =	swait.ge [sflag:s22], $0x1400  }
0x180: {  	[sflag:s22] =	ssyncset.done $0x0  }
0x181: {  	[sflag:s22] =	ssyncadd.s32 $0xFFFFEC00  }
0x182: {  	[spmem:s4] =	stream.indirect.scatter.add.f32 [tilespmem:s23], [sflag:$0x8], $0x10, s20, s25, $0xb8;
	[tilespmem:$0x1EC60] =	vst v63  }
0x183: {  	_ =	swait.ge [sflag:s22], $0x280  }
0x184: {  	[sflag:s22] =	ssyncset.done $0x0  }
0x185: {  	[sflag:s22] =	ssyncadd.s32 $0xFFFFFD80  }
0x186: {  	_ =	swait.ge [sflag:s30], $0x1400  }
0x187: {  	[sflag:s30] =	ssyncset.done $0x0  }
0x188: {  	[sflag:s30] =	ssyncadd.s32 $0xFFFFEC00  }
0x189: {  	_ =	swait.ge [sflag:s31], $0x1400  }
0x18a: {  	[sflag:s31] =	ssyncset.done $0x0  }
0x18b: {  	[sflag:s31] =	ssyncadd.s32 $0xFFFFEC00  }
0x18c: {  	s14 =	stileid.u32;
	[bflag:$0x0] =	sbarrier.arrive $0xFFFF  }
0x18d: {  	s14 =	sshll.u32 s14, $0x6;
	s15 =	rddreg [dreg:$0xa]  }
0x18e: {  	s14 =	sor.u32 $0x1C08, s14;
	s16 =	rddreg [dreg:$0x16]  }
0x18f: {  	[hbm:s15], [sflag:s14] =	dma.local [spmem:s16], $0x2710  }
0x190: {  	_ =	swait.ge [sflag:s22], $0x2710  }
0x191: {  	[sflag:s22] =	ssyncset.done $0x0;
	s16 =	rddreg [dreg:$0xb]  }
0x192: {  	s17 =	rddreg [dreg:$0x17];
	[sflag:s22] =	ssyncadd.s32 $0xFFFFD8F0  }
0x193: {  	[hbm:s16], [sflag:s14] =	dma.local [spmem:s17], $0x4E8  }
0x194: {  	_ =	swait.ge [sflag:s22], $0x4E8  }
0x195: {  	s5 =	sadd.s32 $0x1, s5;
	s17 =	rddreg [dreg:$0xc]  }
0x196: {  	p0 =	sne.s32 s5, s17  }
.Ltmp2:
0x197: {  	_ = 	snop;
	(pc) =	sbr.rel @p0 .LBB2_1-.Ltmp2, $3  }
0x198: {  	_ =	sdelay $0x1  }
0x199: {  	[sflag:s22] =	ssyncset.done $0x0  }
0x19a: {  	[sflag:s22] =	ssyncadd.s32 $0xFFFFFB18  }
0x19b: {  	_ =	sfence.sel $0x180000  }
0x19c: {  	[bflag:$0x0] =	sbarrier.arrive $0xFFFF  }
0x19d: {  	_ =	strace $0x90000047  }
0x19e: {  	s0 =	stileid.u32;
	[bflag:$0x2] =	sbarrier.arrive $0xFFFF  }
0x19f: {  	p0 =	sne.s32 s0, $0x0;
	s0 =	rddreg [dreg:$0x5]  }
0x1a0: {  	s0 =	sadd.s32 @!p0 $0x100000, s0  }
0x1a1: {  	[sflag:s0] =	ssyncadd.tile.s32 @!p0 $0x1;
	_ =	shalt  }
.Lfunc_end2:
_tile_overlayer_lowered:
.L_overlay_start_2:
0x1a2: {  	(tag) =	ssettag $0x2  }
0x1a3: {  	s0 =	rddreg [dreg:$0x0];
	s2 =	stileid.u32  }
0x1a4: {  	s1 =	rddreg [dreg:$0x1];
	p0 =	sne.s32 s2, $0x0  }
0x1a5: {  	s3 =	rddreg [dreg:$0x2];
	[bflag:$0x3] =	sbarrier.arrive $0xFFFF;
	s2 =	simm.s32 @!p0 $0x1C08  }
0x1a6: {  	[timem:s3], [sflag:s2] =	dma.local @!p0 [hbm:s0], s1  }
0x1a7: {  	s0 =	simm.s32 @!p0 $0x8  }
0x1a8: {  	_ =	swait.ge @!p0 [sflag:s0], s1  }
0x1a9: {  	s1 =	ssub.s32 @!p0 $0x0, s1;
	[sflag:s0] =	ssyncset.done @!p0 $0x0  }
0x1aa: {  	[sflag:s0] =	ssyncadd.s32 @!p0 s1  }
0x1ab: {  	[bflag:$0x3] =	sbarrier.arrive $0xFFFF  }
0x1ac: {  	_ =	shalt  }

</sc_bundles>
